<compile_context>
chip_gen: v7x
topology: tpu7x:2x2x1
jax: 0.10.2.dev20260603
libtpu: 0.0.44.dev20260713+nightly
codegen_flags: <defaults>
</compile_context>

<pallas_src>
import functools
import math

import jax
import jax.numpy as jnp
from jax import lax
from jax.experimental import pallas as pl
from jax.experimental.pallas import tpu as pltpu
from jax.experimental.pallas import tpu_sc as plsc

VOCAB = 1000000
EMBED_DIM = 64
SCALE = math.sqrt(EMBED_DIM)

_INFO = plsc.get_sparse_core_info()
NC = _INFO.num_cores
NS = _INFO.num_subcores
NW = NC * NS
LANES = _INFO.num_lanes

SEQ = 4096
TOK = 200
B_TOTAL = SEQ * TOK
B_PER_W = B_TOTAL // NW
CHUNK = 256
N_CHUNKS = B_PER_W // CHUNK
NBUF = 4
LOOKAHEAD = 2
SLICES_PER_ROW = EMBED_DIM // LANES


def _make_gather_kernel():
    mesh = plsc.VectorSubcoreMesh(core_axis_name="c", subcore_axis_name="s")

    @functools.partial(
        pl.kernel,
        out_type=jax.ShapeDtypeStruct((SEQ, TOK, EMBED_DIM), jnp.float32),
        mesh=mesh,
        scratch_types=[
            pltpu.VMEM((B_PER_W,), jnp.int32),
            [pltpu.VMEM((CHUNK, EMBED_DIM), jnp.float32) for _ in range(NBUF)],
            [pltpu.SemaphoreType.DMA for _ in range(NBUF)],
            [pltpu.SemaphoreType.DMA for _ in range(NBUF)],
            pltpu.SemaphoreType.DMA,
        ],
        compiler_params=pltpu.CompilerParams(use_tc_tiling_on_sc=False),
    )
    def gather_kernel(xt_hbm, table_hbm, out_hbm, idx_v, rows, sem_g, sem_s,
                      sem_i):
        wid = lax.axis_index("s") * NC + lax.axis_index("c")
        base = wid * B_PER_W

        pltpu.async_copy(xt_hbm.at[pl.ds(base, B_PER_W)], idx_v, sem_i).wait()

        def idx_slice(c):
            return idx_v.at[pl.ds(c * CHUNK, CHUNK)]

        def out_slice(c):
            j0 = base + c * CHUNK
            t = j0 // SEQ
            s0 = j0 - t * SEQ
            return out_hbm.at[pl.ds(s0, CHUNK), t]

        def start_gather(c, b):
            pltpu.async_copy(table_hbm.at[idx_slice(c)], rows[b], sem_g[b])

        def wait_gather(c, b):
            pltpu.make_async_copy(table_hbm.at[idx_slice(c)], rows[b],
                                  sem_g[b]).wait()

        def start_scatter(c, b):
            pltpu.async_copy(rows[b], out_slice(c), sem_s[b])

        def wait_scatter(c, b):
            pltpu.make_async_copy(rows[b], out_slice(c), sem_s[b]).wait()

        for c in range(LOOKAHEAD):
            start_gather(c, c % NBUF)

        @pl.loop(0, N_CHUNKS, step=NBUF)
        def chunk_group(i):
            for db in range(NBUF):
                c = i + db
                b = db
                bn = (db + LOOKAHEAD) % NBUF

                @pl.when(c + LOOKAHEAD < N_CHUNKS)
                def _():
                    @pl.when(c >= NBUF - LOOKAHEAD)
                    def _():
                        wait_scatter(c - (NBUF - LOOKAHEAD), bn)
                    start_gather(c + LOOKAHEAD, bn)

                wait_gather(c, b)

                def scale_row(r, carry):
                    for j in range(SLICES_PER_ROW):
                        sl = (r, pl.ds(j * LANES, LANES))
                        rows[b][sl] = rows[b][sl] * SCALE
                    return carry

                lax.fori_loop(0, CHUNK, scale_row, 0, unroll=2)

                start_scatter(c, b)

        for k in range(NBUF):
            c = N_CHUNKS - NBUF + k
            wait_scatter(c, c % NBUF)

    return gather_kernel


_GATHER = _make_gather_kernel()


@jax.jit
def kernel(x, table):
    flat_idx = jnp.swapaxes(x, 0, 1).reshape(-1)
    return _GATHER(flat_idx, table)

# --- scband reference (transcript-rebuilt; emitter-appended) ---
"""Pipeline reference for scband-embeddings-75849122447562 (READ-ONLY COPY).

The authoritative reference and input builder live on the scoring server;
editing this copy changes nothing except your own understanding.
"""

import jax, jax.numpy as jnp
import numpy as np
import math

VOCAB = 1000000
EMBED_DIM = 64
PADDING_IDX = 1
SCALE = math.sqrt(EMBED_DIM)

def setup_inputs(seed: int = 0) -> dict:
    key = jax.random.key(seed)
    k_idx, k_tab = jax.random.split(key)
    x = jax.random.randint(k_idx, (4096, 200), 0, VOCAB, dtype=jnp.int64) if jax.config.jax_enable_x64 else jax.random.randint(k_idx, (4096, 200), 0, VOCAB, dtype=jnp.int32)
    table = jax.random.normal(k_tab, (VOCAB, EMBED_DIM), dtype=jnp.float32)
    # torch nn.Embedding zeros out the padding_idx row at init
    table = table.at[PADDING_IDX].set(0.0)
    return {"x": x, "table": table}

def reference(x, table):
    # Embeddings.forward: lut(x) * sqrt(embedding_dim)  (scale=True)
    emb = jnp.take(table, x, axis=0)
    return emb * SCALE

if __name__ == "__main__":
    import jax
    _d = setup_inputs()
    print(jax.jit(kernel)(*tuple(_d.values())))

</pallas_src>

<mosaic_0001>
#map = affine_map<(d0, d1) -> (0)>
#map1 = affine_map<(d0, d1) -> (0, 0)>
#map2 = affine_map<(d0, d1) -> (0, 0, 0)>
module attributes {stable_mosaic.version = 14 : i64} {
  func.func @gather_kernel(%arg0: i32, %arg1: i32, %arg2: memref<819200xi32, #tpu.memory_space<hbm>>, %arg3: memref<1000000x64xf32, #tpu.memory_space<hbm>>, %arg4: memref<4096x200x64xf32, #tpu.memory_space<hbm>>, %arg5: memref<25600xi32, #tpu.memory_space<vmem>>, %arg6: memref<256x64xf32, #tpu.memory_space<vmem>>, %arg7: memref<256x64xf32, #tpu.memory_space<vmem>>, %arg8: memref<256x64xf32, #tpu.memory_space<vmem>>, %arg9: memref<256x64xf32, #tpu.memory_space<vmem>>, %arg10: memref<!tpu.dma_semaphore, #tpu.memory_space<semaphore_mem>>, %arg11: memref<!tpu.dma_semaphore, #tpu.memory_space<semaphore_mem>>, %arg12: memref<!tpu.dma_semaphore, #tpu.memory_space<semaphore_mem>>, %arg13: memref<!tpu.dma_semaphore, #tpu.memory_space<semaphore_mem>>, %arg14: memref<!tpu.dma_semaphore, #tpu.memory_space<semaphore_mem>>, %arg15: memref<!tpu.dma_semaphore, #tpu.memory_space<semaphore_mem>>, %arg16: memref<!tpu.dma_semaphore, #tpu.memory_space<semaphore_mem>>, %arg17: memref<!tpu.dma_semaphore, #tpu.memory_space<semaphore_mem>>, %arg18: memref<!tpu.dma_semaphore, #tpu.memory_space<semaphore_mem>>) attributes {dimension_semantics = [#tpu.dimension_semantics<core_parallel>, #tpu.dimension_semantics<subcore_parallel>], iteration_bounds = array<i64: 2, 16>, scalar_prefetch = 0 : i64, scratch_operands = 14 : i64, tpu.core_type = #tpu.core_type<sc_vector_subcore>, window_params = [{transform_indices = #map}, {transform_indices = #map1}, {transform_indices = #map2}]} {
    %mul3A = arith.constant 2 : i32
    %mul3A_0 = arith.muli %arg1, %mul3A : i32
    %add3A = arith.addi %mul3A_0, %arg0 : i32
    %mul3A_1 = arith.constant 25600 : i32
    %mul3A_2 = arith.muli %add3A, %mul3A_1 : i32
    %dma_start3A = tpu.memref_slice %arg2[%mul3A_2] : memref<819200xi32, #tpu.memory_space<hbm>> -> memref<25600xi32, #tpu.memory_space<hbm>>
    %dma_start3A_3 = tpu.memref_slice %arg2[%mul3A_2] : memref<819200xi32, #tpu.memory_space<hbm>> -> memref<25600xi32, #tpu.memory_space<hbm>>
    tpu.enqueue_dma source(%dma_start3A_3 : memref<25600xi32, #tpu.memory_space<hbm>>) target(%arg5 : memref<25600xi32, #tpu.memory_space<vmem>>) target_semaphore(%arg18 : memref<!tpu.dma_semaphore, #tpu.memory_space<semaphore_mem>>)
    %dma_wait3A = tpu.memref_slice %arg2[%mul3A_2] : memref<819200xi32, #tpu.memory_space<hbm>> -> memref<25600xi32, #tpu.memory_space<hbm>>
    %dma_wait3A_4 = tpu.memref_slice %arg2[%mul3A_2] : memref<819200xi32, #tpu.memory_space<hbm>> -> memref<25600xi32, #tpu.memory_space<hbm>>
    tpu.wait_dma2 semaphore(%arg18 : memref<!tpu.dma_semaphore, #tpu.memory_space<semaphore_mem>>) src(%dma_wait3A_4 : memref<25600xi32, #tpu.memory_space<hbm>>) dst(%arg5 : memref<25600xi32, #tpu.memory_space<vmem>>)
    %dma_start3A_5 = arith.constant 0 : i32
    %dma_start3A_6 = tpu.memref_slice %arg5[%dma_start3A_5] : memref<25600xi32, #tpu.memory_space<vmem>> -> memref<256xi32, #tpu.memory_space<vmem>>
    %dma_start3A_7 = arith.constant 0 : i32
    %dma_start3A_8 = arith.constant 0 : i32
    %dma_start3A_9 = tpu.memref_slice %arg3[%dma_start3A_7, %dma_start3A_8] : memref<1000000x64xf32, #tpu.memory_space<hbm>> -> memref<1000000x64xf32, #tpu.memory_space<hbm>>
    tpu.enqueue_indirect_dma source(%dma_start3A_9 : memref<1000000x64xf32, #tpu.memory_space<hbm>>) target(%arg6 : memref<256x64xf32, #tpu.memory_space<vmem>>) offsets(%dma_start3A_6 : memref<256xi32, #tpu.memory_space<vmem>>) semaphore(%arg10 : memref<!tpu.dma_semaphore, #tpu.memory_space<semaphore_mem>>)
    %dma_start3A_10 = arith.constant 256 : i32
    %dma_start3A_11 = tpu.memref_slice %arg5[%dma_start3A_10] : memref<25600xi32, #tpu.memory_space<vmem>> -> memref<256xi32, #tpu.memory_space<vmem>>
    %dma_start3A_12 = arith.constant 0 : i32
    %dma_start3A_13 = arith.constant 0 : i32
    %dma_start3A_14 = tpu.memref_slice %arg3[%dma_start3A_12, %dma_start3A_13] : memref<1000000x64xf32, #tpu.memory_space<hbm>> -> memref<1000000x64xf32, #tpu.memory_space<hbm>>
    tpu.enqueue_indirect_dma source(%dma_start3A_14 : memref<1000000x64xf32, #tpu.memory_space<hbm>>) target(%arg7 : memref<256x64xf32, #tpu.memory_space<vmem>>) offsets(%dma_start3A_11 : memref<256xi32, #tpu.memory_space<vmem>>) semaphore(%arg11 : memref<!tpu.dma_semaphore, #tpu.memory_space<semaphore_mem>>)
    %scan3A = arith.constant 0 : i32
    %scan3A_15 = arith.constant 25 : i32
    %scan3A_16 = arith.addi %scan3A, %scan3A_15 : i32
    %scan3A_17 = arith.constant 1 : i32
    scf.for %scan3A_151 = %scan3A to %scan3A_16 step %scan3A_17  : i32 {
      %mul3A_152 = arith.constant 4 : i32
      %mul3A_153 = arith.muli %scan3A_151, %mul3A_152 : i32
      %add3A_154 = arith.constant 0 : i32
      %add3A_155 = arith.addi %add3A_154, %mul3A_153 : i32
      %add3A_156 = arith.constant 0 : i32
      %add3A_157 = arith.addi %add3A_155, %add3A_156 : i32
      %add3A_158 = arith.constant 2 : i32
      %add3A_159 = arith.addi %add3A_157, %add3A_158 : i32
      %lt3A = arith.constant 100 : i32
      %lt3A_160 = arith.cmpi slt, %add3A_159, %lt3A : i32
      %convert_element_type3A = arith.extui %lt3A_160 : i1 to i32
      %cond3A = arith.constant 0 : i32
      %cond3A_161 = arith.cmpi ne, %convert_element_type3A, %cond3A : i32
      scf.if %cond3A_161 {
        %ge3A = arith.constant 2 : i32
        %ge3A_381 = arith.cmpi sge, %add3A_157, %ge3A : i32
        %convert_element_type3A_382 = arith.extui %ge3A_381 : i1 to i32
        %cond3A_383 = arith.constant 0 : i32
        %cond3A_384 = arith.cmpi ne, %convert_element_type3A_382, %cond3A_383 : i32
        scf.if %cond3A_384 {
          %sub3A_393 = arith.constant 2 : i32
          %sub3A_394 = arith.subi %add3A_157, %sub3A_393 : i32
          %mul3A_395 = arith.constant 256 : i32
          %mul3A_396 = arith.muli %sub3A_394, %mul3A_395 : i32
          %add3A_397 = arith.addi %mul3A_2, %mul3A_396 : i32
          %jit3A_398 = arith.constant 4096 : i32
          %div3A_399 = arith.divsi %add3A_397, %jit3A_398 : i32
          %sign3A_400 = arith.constant 0 : i32
          %sign3A_401 = arith.cmpi sgt, %add3A_397, %sign3A_400 : i32
          %sign3A_402 = arith.extui %sign3A_401 : i1 to i32
          %sign3A_403 = arith.constant 0 : i32
          %sign3A_404 = arith.cmpi slt, %add3A_397, %sign3A_403 : i32
          %sign3A_405 = arith.extui %sign3A_404 : i1 to i32
          %sign3A_406 = arith.subi %sign3A_402, %sign3A_405 : i32
          %sign3A_407 = arith.constant 0 : i32
          %sign3A_408 = arith.cmpi sgt, %jit3A_398, %sign3A_407 : i32
          %sign3A_409 = arith.extui %sign3A_408 : i1 to i32
          %sign3A_410 = arith.constant 0 : i32
          %sign3A_411 = arith.cmpi slt, %jit3A_398, %sign3A_410 : i32
          %sign3A_412 = arith.extui %sign3A_411 : i1 to i32
          %sign3A_413 = arith.subi %sign3A_409, %sign3A_412 : i32
          %ne3A_414 = arith.cmpi ne, %sign3A_406, %sign3A_413 : i32
          %rem3A_415 = arith.remsi %add3A_397, %jit3A_398 : i32
          %ne3A_416 = arith.constant 0 : i32
          %ne3A_417 = arith.cmpi ne, %rem3A_415, %ne3A_416 : i32
          %and3A_418 = arith.andi %ne3A_414, %ne3A_417 : i1
          %sub3A_419 = arith.constant 1 : i32
          %sub3A_420 = arith.subi %div3A_399, %sub3A_419 : i32
          %select_n3A_421 = arith.select %and3A_418, %sub3A_420, %div3A_399 : i32
          %mul3A_422 = arith.constant 4096 : i32
          %mul3A_423 = arith.muli %select_n3A_421, %mul3A_422 : i32
          %sub3A_424 = arith.subi %add3A_397, %mul3A_423 : i32
          %dma_wait3A_425 = arith.constant 0 : i32
          %dma_wait3A_426 = tpu.memref_slice %arg4[%sub3A_424, %select_n3A_421, %dma_wait3A_425] : memref<4096x200x64xf32, #tpu.memory_space<hbm>> -> memref<256x1x64xf32, #tpu.memory_space<hbm>>
          %dma_wait3A_427 = tpu.memref_squeeze %dma_wait3A_426 : memref<256x1x64xf32, #tpu.memory_space<hbm>> -> memref<256x64xf32, #tpu.memory_space<hbm>>
          %dma_wait3A_428 = arith.constant 0 : i32
          %dma_wait3A_429 = tpu.memref_slice %arg4[%sub3A_424, %select_n3A_421, %dma_wait3A_428] : memref<4096x200x64xf32, #tpu.memory_space<hbm>> -> memref<256x1x64xf32, #tpu.memory_space<hbm>>
          %dma_wait3A_430 = tpu.memref_squeeze %dma_wait3A_429 : memref<256x1x64xf32, #tpu.memory_space<hbm>> -> memref<256x64xf32, #tpu.memory_space<hbm>>
          tpu.wait_dma2 semaphore(%arg16 : memref<!tpu.dma_semaphore, #tpu.memory_space<semaphore_mem>>) src(%arg8 : memref<256x64xf32, #tpu.memory_space<vmem>>) dst(%dma_wait3A_430 : memref<256x64xf32, #tpu.memory_space<hbm>>)
        } else {
        }
        %add3A_385 = arith.constant 2 : i32
        %add3A_386 = arith.addi %add3A_157, %add3A_385 : i32
        %mul3A_387 = arith.constant 256 : i32
        %mul3A_388 = arith.muli %add3A_386, %mul3A_387 : i32
        %dma_start3A_389 = tpu.memref_slice %arg5[%mul3A_388] : memref<25600xi32, #tpu.memory_space<vmem>> -> memref<256xi32, #tpu.memory_space<vmem>>
        %dma_start3A_390 = arith.constant 0 : i32
        %dma_start3A_391 = arith.constant 0 : i32
        %dma_start3A_392 = tpu.memref_slice %arg3[%dma_start3A_390, %dma_start3A_391] : memref<1000000x64xf32, #tpu.memory_space<hbm>> -> memref<1000000x64xf32, #tpu.memory_space<hbm>>
        tpu.enqueue_indirect_dma source(%dma_start3A_392 : memref<1000000x64xf32, #tpu.memory_space<hbm>>) target(%arg8 : memref<256x64xf32, #tpu.memory_space<vmem>>) offsets(%dma_start3A_389 : memref<256xi32, #tpu.memory_space<vmem>>) semaphore(%arg12 : memref<!tpu.dma_semaphore, #tpu.memory_space<semaphore_mem>>)
      } else {
      }
      %mul3A_162 = arith.constant 256 : i32
      %mul3A_163 = arith.muli %add3A_157, %mul3A_162 : i32
      %dma_wait3A_164 = tpu.memref_slice %arg5[%mul3A_163] : memref<25600xi32, #tpu.memory_space<vmem>> -> memref<256xi32, #tpu.memory_space<vmem>>
      %dma_wait3A_165 = arith.constant 0 : i32
      %dma_wait3A_166 = arith.constant 0 : i32
      %dma_wait3A_167 = tpu.memref_slice %arg3[%dma_wait3A_165, %dma_wait3A_166] : memref<1000000x64xf32, #tpu.memory_space<hbm>> -> memref<1000000x64xf32, #tpu.memory_space<hbm>>
      tpu.wait_indirect_dma semaphore(%arg10 : memref<!tpu.dma_semaphore, #tpu.memory_space<semaphore_mem>>) src(%dma_wait3A_167 : memref<1000000x64xf32, #tpu.memory_space<hbm>>) dst(%arg6 : memref<256x64xf32, #tpu.memory_space<vmem>>)
      %scan3A_168 = arith.constant 0 : i32
      %scan3A_169 = arith.constant 0 : i32
      %scan3A_170 = arith.constant 256 : i32
      %scan3A_171 = arith.addi %scan3A_169, %scan3A_170 : i32
      %scan3A_172 = arith.constant 2 : i32
      scf.for %scan3A_381 = %scan3A_169 to %scan3A_171 step %scan3A_172  : i32 {
        %get3A = arith.index_cast %scan3A_381 : i32 to index
        %get3A_382 = arith.constant 0 : index
        %get3A_383 = tpu.vector_load %arg6[%get3A, %get3A_382] {strides = array<i32>} : memref<256x64xf32, #tpu.memory_space<vmem>>, vector<1x16xf32>,
        %get3A_384 = vector.shape_cast %get3A_383 : vector<1x16xf32> to vector<16xf32>
        %mul3A_385 = arith.constant 8.000000e+00 : f32
        %mul3A_386 = vector.broadcast %mul3A_385 : f32 to vector<16xf32>
        %mul3A_387 = arith.mulf %get3A_384, %mul3A_386 : vector<16xf32>
        %swap3A = arith.index_cast %scan3A_381 : i32 to index
        %swap3A_388 = arith.constant 0 : index
        %swap3A_389 = tpu.vector_load %arg6[%swap3A, %swap3A_388] {strides = array<i32>} : memref<256x64xf32, #tpu.memory_space<vmem>>, vector<1x16xf32>,
        %swap3A_390 = vector.shape_cast %swap3A_389 : vector<1x16xf32> to vector<16xf32>
        %swap3A_391 = vector.shape_cast %mul3A_387 : vector<16xf32> to vector<1x16xf32>
        tpu.vector_store %arg6[%swap3A, %swap3A_388], %swap3A_391 {strides = array<i32>} : memref<256x64xf32, #tpu.memory_space<vmem>>, vector<1x16xf32>,
        %get3A_392 = arith.index_cast %scan3A_381 : i32 to index
        %get3A_393 = arith.constant 16 : index
        %get3A_394 = tpu.vector_load %arg6[%get3A_392, %get3A_393] {strides = array<i32>} : memref<256x64xf32, #tpu.memory_space<vmem>>, vector<1x16xf32>,
        %get3A_395 = vector.shape_cast %get3A_394 : vector<1x16xf32> to vector<16xf32>
        %mul3A_396 = arith.constant 8.000000e+00 : f32
        %mul3A_397 = vector.broadcast %mul3A_396 : f32 to vector<16xf32>
        %mul3A_398 = arith.mulf %get3A_395, %mul3A_397 : vector<16xf32>
        %swap3A_399 = arith.index_cast %scan3A_381 : i32 to index
        %swap3A_400 = arith.constant 16 : index
        %swap3A_401 = tpu.vector_load %arg6[%swap3A_399, %swap3A_400] {strides = array<i32>} : memref<256x64xf32, #tpu.memory_space<vmem>>, vector<1x16xf32>,
        %swap3A_402 = vector.shape_cast %swap3A_401 : vector<1x16xf32> to vector<16xf32>
        %swap3A_403 = vector.shape_cast %mul3A_398 : vector<16xf32> to vector<1x16xf32>
        tpu.vector_store %arg6[%swap3A_399, %swap3A_400], %swap3A_403 {strides = array<i32>} : memref<256x64xf32, #tpu.memory_space<vmem>>, vector<1x16xf32>,
        %get3A_404 = arith.index_cast %scan3A_381 : i32 to index
        %get3A_405 = arith.constant 32 : index
        %get3A_406 = tpu.vector_load %arg6[%get3A_404, %get3A_405] {strides = array<i32>} : memref<256x64xf32, #tpu.memory_space<vmem>>, vector<1x16xf32>,
        %get3A_407 = vector.shape_cast %get3A_406 : vector<1x16xf32> to vector<16xf32>
        %mul3A_408 = arith.constant 8.000000e+00 : f32
        %mul3A_409 = vector.broadcast %mul3A_408 : f32 to vector<16xf32>
        %mul3A_410 = arith.mulf %get3A_407, %mul3A_409 : vector<16xf32>
        %swap3A_411 = arith.index_cast %scan3A_381 : i32 to index
        %swap3A_412 = arith.constant 32 : index
        %swap3A_413 = tpu.vector_load %arg6[%swap3A_411, %swap3A_412] {strides = array<i32>} : memref<256x64xf32, #tpu.memory_space<vmem>>, vector<1x16xf32>,
        %swap3A_414 = vector.shape_cast %swap3A_413 : vector<1x16xf32> to vector<16xf32>
        %swap3A_415 = vector.shape_cast %mul3A_410 : vector<16xf32> to vector<1x16xf32>
        tpu.vector_store %arg6[%swap3A_411, %swap3A_412], %swap3A_415 {strides = array<i32>} : memref<256x64xf32, #tpu.memory_space<vmem>>, vector<1x16xf32>,
        %get3A_416 = arith.index_cast %scan3A_381 : i32 to index
        %get3A_417 = arith.constant 48 : index
        %get3A_418 = tpu.vector_load %arg6[%get3A_416, %get3A_417] {strides = array<i32>} : memref<256x64xf32, #tpu.memory_space<vmem>>, vector<1x16xf32>,
        %get3A_419 = vector.shape_cast %get3A_418 : vector<1x16xf32> to vector<16xf32>
        %mul3A_420 = arith.constant 8.000000e+00 : f32
        %mul3A_421 = vector.broadcast %mul3A_420 : f32 to vector<16xf32>
        %mul3A_422 = arith.mulf %get3A_419, %mul3A_421 : vector<16xf32>
        %swap3A_423 = arith.index_cast %scan3A_381 : i32 to index
        %swap3A_424 = arith.constant 48 : index
        %swap3A_425 = tpu.vector_load %arg6[%swap3A_423, %swap3A_424] {strides = array<i32>} : memref<256x64xf32, #tpu.memory_space<vmem>>, vector<1x16xf32>,
        %swap3A_426 = vector.shape_cast %swap3A_425 : vector<1x16xf32> to vector<16xf32>
        %swap3A_427 = vector.shape_cast %mul3A_422 : vector<16xf32> to vector<1x16xf32>
        tpu.vector_store %arg6[%swap3A_423, %swap3A_424], %swap3A_427 {strides = array<i32>} : memref<256x64xf32, #tpu.memory_space<vmem>>, vector<1x16xf32>,
        %scan3A_428 = arith.constant 1 : i32
        %scan3A_429 = arith.addi %scan3A_381, %scan3A_428 : i32
        %get3A_430 = arith.index_cast %scan3A_429 : i32 to index
        %get3A_431 = arith.constant 0 : index
        %get3A_432 = tpu.vector_load %arg6[%get3A_430, %get3A_431] {strides = array<i32>} : memref<256x64xf32, #tpu.memory_space<vmem>>, vector<1x16xf32>,
        %get3A_433 = vector.shape_cast %get3A_432 : vector<1x16xf32> to vector<16xf32>
        %mul3A_434 = arith.constant 8.000000e+00 : f32
        %mul3A_435 = vector.broadcast %mul3A_434 : f32 to vector<16xf32>
        %mul3A_436 = arith.mulf %get3A_433, %mul3A_435 : vector<16xf32>
        %swap3A_437 = arith.index_cast %scan3A_429 : i32 to index
        %swap3A_438 = arith.constant 0 : index
        %swap3A_439 = tpu.vector_load %arg6[%swap3A_437, %swap3A_438] {strides = array<i32>} : memref<256x64xf32, #tpu.memory_space<vmem>>, vector<1x16xf32>,
        %swap3A_440 = vector.shape_cast %swap3A_439 : vector<1x16xf32> to vector<16xf32>
        %swap3A_441 = vector.shape_cast %mul3A_436 : vector<16xf32> to vector<1x16xf32>
        tpu.vector_store %arg6[%swap3A_437, %swap3A_438], %swap3A_441 {strides = array<i32>} : memref<256x64xf32, #tpu.memory_space<vmem>>, vector<1x16xf32>,
        %get3A_442 = arith.index_cast %scan3A_429 : i32 to index
        %get3A_443 = arith.constant 16 : index
        %get3A_444 = tpu.vector_load %arg6[%get3A_442, %get3A_443] {strides = array<i32>} : memref<256x64xf32, #tpu.memory_space<vmem>>, vector<1x16xf32>,
        %get3A_445 = vector.shape_cast %get3A_444 : vector<1x16xf32> to vector<16xf32>
        %mul3A_446 = arith.constant 8.000000e+00 : f32
        %mul3A_447 = vector.broadcast %mul3A_446 : f32 to vector<16xf32>
        %mul3A_448 = arith.mulf %get3A_445, %mul3A_447 : vector<16xf32>
        %swap3A_449 = arith.index_cast %scan3A_429 : i32 to index
        %swap3A_450 = arith.constant 16 : index
        %swap3A_451 = tpu.vector_load %arg6[%swap3A_449, %swap3A_450] {strides = array<i32>} : memref<256x64xf32, #tpu.memory_space<vmem>>, vector<1x16xf32>,
        %swap3A_452 = vector.shape_cast %swap3A_451 : vector<1x16xf32> to vector<16xf32>
        %swap3A_453 = vector.shape_cast %mul3A_448 : vector<16xf32> to vector<1x16xf32>
        tpu.vector_store %arg6[%swap3A_449, %swap3A_450], %swap3A_453 {strides = array<i32>} : memref<256x64xf32, #tpu.memory_space<vmem>>, vector<1x16xf32>,
        %get3A_454 = arith.index_cast %scan3A_429 : i32 to index
        %get3A_455 = arith.constant 32 : index
        %get3A_456 = tpu.vector_load %arg6[%get3A_454, %get3A_455] {strides = array<i32>} : memref<256x64xf32, #tpu.memory_space<vmem>>, vector<1x16xf32>,
        %get3A_457 = vector.shape_cast %get3A_456 : vector<1x16xf32> to vector<16xf32>
        %mul3A_458 = arith.constant 8.000000e+00 : f32
        %mul3A_459 = vector.broadcast %mul3A_458 : f32 to vector<16xf32>
        %mul3A_460 = arith.mulf %get3A_457, %mul3A_459 : vector<16xf32>
        %swap3A_461 = arith.index_cast %scan3A_429 : i32 to index
        %swap3A_462 = arith.constant 32 : index
        %swap3A_463 = tpu.vector_load %arg6[%swap3A_461, %swap3A_462] {strides = array<i32>} : memref<256x64xf32, #tpu.memory_space<vmem>>, vector<1x16xf32>,
        %swap3A_464 = vector.shape_cast %swap3A_463 : vector<1x16xf32> to vector<16xf32>
        %swap3A_465 = vector.shape_cast %mul3A_460 : vector<16xf32> to vector<1x16xf32>
        tpu.vector_store %arg6[%swap3A_461, %swap3A_462], %swap3A_465 {strides = array<i32>} : memref<256x64xf32, #tpu.memory_space<vmem>>, vector<1x16xf32>,
        %get3A_466 = arith.index_cast %scan3A_429 : i32 to index
        %get3A_467 = arith.constant 48 : index
        %get3A_468 = tpu.vector_load %arg6[%get3A_466, %get3A_467] {strides = array<i32>} : memref<256x64xf32, #tpu.memory_space<vmem>>, vector<1x16xf32>,
        %get3A_469 = vector.shape_cast %get3A_468 : vector<1x16xf32> to vector<16xf32>
        %mul3A_470 = arith.constant 8.000000e+00 : f32
        %mul3A_471 = vector.broadcast %mul3A_470 : f32 to vector<16xf32>
        %mul3A_472 = arith.mulf %get3A_469, %mul3A_471 : vector<16xf32>
        %swap3A_473 = arith.index_cast %scan3A_429 : i32 to index
        %swap3A_474 = arith.constant 48 : index
        %swap3A_475 = tpu.vector_load %arg6[%swap3A_473, %swap3A_474] {strides = array<i32>} : memref<256x64xf32, #tpu.memory_space<vmem>>, vector<1x16xf32>,
        %swap3A_476 = vector.shape_cast %swap3A_475 : vector<1x16xf32> to vector<16xf32>
        %swap3A_477 = vector.shape_cast %mul3A_472 : vector<16xf32> to vector<1x16xf32>
        tpu.vector_store %arg6[%swap3A_473, %swap3A_474], %swap3A_477 {strides = array<i32>} : memref<256x64xf32, #tpu.memory_space<vmem>>, vector<1x16xf32>,
      }
      %scan3A_173 = arith.constant 256 : i32
      %mul3A_174 = arith.constant 256 : i32
      %mul3A_175 = arith.muli %add3A_157, %mul3A_174 : i32
      %add3A_176 = arith.addi %mul3A_2, %mul3A_175 : i32
      %jit3A_177 = arith.constant 4096 : i32
      %div3A_178 = arith.divsi %add3A_176, %jit3A_177 : i32
      %sign3A_179 = arith.constant 0 : i32
      %sign3A_180 = arith.cmpi sgt, %add3A_176, %sign3A_179 : i32
      %sign3A_181 = arith.extui %sign3A_180 : i1 to i32
      %sign3A_182 = arith.constant 0 : i32
      %sign3A_183 = arith.cmpi slt, %add3A_176, %sign3A_182 : i32
      %sign3A_184 = arith.extui %sign3A_183 : i1 to i32
      %sign3A_185 = arith.subi %sign3A_181, %sign3A_184 : i32
      %sign3A_186 = arith.constant 0 : i32
      %sign3A_187 = arith.cmpi sgt, %jit3A_177, %sign3A_186 : i32
      %sign3A_188 = arith.extui %sign3A_187 : i1 to i32
      %sign3A_189 = arith.constant 0 : i32
      %sign3A_190 = arith.cmpi slt, %jit3A_177, %sign3A_189 : i32
      %sign3A_191 = arith.extui %sign3A_190 : i1 to i32
      %sign3A_192 = arith.subi %sign3A_188, %sign3A_191 : i32
      %ne3A_193 = arith.cmpi ne, %sign3A_185, %sign3A_192 : i32
      %rem3A_194 = arith.remsi %add3A_176, %jit3A_177 : i32
      %ne3A_195 = arith.constant 0 : i32
      %ne3A_196 = arith.cmpi ne, %rem3A_194, %ne3A_195 : i32
      %and3A_197 = arith.andi %ne3A_193, %ne3A_196 : i1
      %sub3A_198 = arith.constant 1 : i32
      %sub3A_199 = arith.subi %div3A_178, %sub3A_198 : i32
      %select_n3A_200 = arith.select %and3A_197, %sub3A_199, %div3A_178 : i32
      %mul3A_201 = arith.constant 4096 : i32
      %mul3A_202 = arith.muli %select_n3A_200, %mul3A_201 : i32
      %sub3A_203 = arith.subi %add3A_176, %mul3A_202 : i32
      %dma_start3A_204 = arith.constant 0 : i32
      %dma_start3A_205 = tpu.memref_slice %arg4[%sub3A_203, %select_n3A_200, %dma_start3A_204] : memref<4096x200x64xf32, #tpu.memory_space<hbm>> -> memref<256x1x64xf32, #tpu.memory_space<hbm>>
      %dma_start3A_206 = tpu.memref_squeeze %dma_start3A_205 : memref<256x1x64xf32, #tpu.memory_space<hbm>> -> memref<256x64xf32, #tpu.memory_space<hbm>>
      %dma_start3A_207 = arith.constant 0 : i32
      %dma_start3A_208 = tpu.memref_slice %arg4[%sub3A_203, %select_n3A_200, %dma_start3A_207] : memref<4096x200x64xf32, #tpu.memory_space<hbm>> -> memref<256x1x64xf32, #tpu.memory_space<hbm>>
      %dma_start3A_209 = tpu.memref_squeeze %dma_start3A_208 : memref<256x1x64xf32, #tpu.memory_space<hbm>> -> memref<256x64xf32, #tpu.memory_space<hbm>>
      tpu.enqueue_dma source(%arg6 : memref<256x64xf32, #tpu.memory_space<vmem>>) target(%dma_start3A_209 : memref<256x64xf32, #tpu.memory_space<hbm>>) target_semaphore(%arg14 : memref<!tpu.dma_semaphore, #tpu.memory_space<semaphore_mem>>)
      %add3A_210 = arith.constant 1 : i32
      %add3A_211 = arith.addi %add3A_155, %add3A_210 : i32
      %add3A_212 = arith.constant 2 : i32
      %add3A_213 = arith.addi %add3A_211, %add3A_212 : i32
      %lt3A_214 = arith.constant 100 : i32
      %lt3A_215 = arith.cmpi slt, %add3A_213, %lt3A_214 : i32
      %convert_element_type3A_216 = arith.extui %lt3A_215 : i1 to i32
      %cond3A_217 = arith.constant 0 : i32
      %cond3A_218 = arith.cmpi ne, %convert_element_type3A_216, %cond3A_217 : i32
      scf.if %cond3A_218 {
        %ge3A = arith.constant 2 : i32
        %ge3A_381 = arith.cmpi sge, %add3A_211, %ge3A : i32
        %convert_element_type3A_382 = arith.extui %ge3A_381 : i1 to i32
        %cond3A_383 = arith.constant 0 : i32
        %cond3A_384 = arith.cmpi ne, %convert_element_type3A_382, %cond3A_383 : i32
        scf.if %cond3A_384 {
          %sub3A_393 = arith.constant 2 : i32
          %sub3A_394 = arith.subi %add3A_211, %sub3A_393 : i32
          %mul3A_395 = arith.constant 256 : i32
          %mul3A_396 = arith.muli %sub3A_394, %mul3A_395 : i32
          %add3A_397 = arith.addi %mul3A_2, %mul3A_396 : i32
          %jit3A_398 = arith.constant 4096 : i32
          %div3A_399 = arith.divsi %add3A_397, %jit3A_398 : i32
          %sign3A_400 = arith.constant 0 : i32
          %sign3A_401 = arith.cmpi sgt, %add3A_397, %sign3A_400 : i32
          %sign3A_402 = arith.extui %sign3A_401 : i1 to i32
          %sign3A_403 = arith.constant 0 : i32
          %sign3A_404 = arith.cmpi slt, %add3A_397, %sign3A_403 : i32
          %sign3A_405 = arith.extui %sign3A_404 : i1 to i32
          %sign3A_406 = arith.subi %sign3A_402, %sign3A_405 : i32
          %sign3A_407 = arith.constant 0 : i32
          %sign3A_408 = arith.cmpi sgt, %jit3A_398, %sign3A_407 : i32
          %sign3A_409 = arith.extui %sign3A_408 : i1 to i32
          %sign3A_410 = arith.constant 0 : i32
          %sign3A_411 = arith.cmpi slt, %jit3A_398, %sign3A_410 : i32
          %sign3A_412 = arith.extui %sign3A_411 : i1 to i32
          %sign3A_413 = arith.subi %sign3A_409, %sign3A_412 : i32
          %ne3A_414 = arith.cmpi ne, %sign3A_406, %sign3A_413 : i32
          %rem3A_415 = arith.remsi %add3A_397, %jit3A_398 : i32
          %ne3A_416 = arith.constant 0 : i32
          %ne3A_417 = arith.cmpi ne, %rem3A_415, %ne3A_416 : i32
          %and3A_418 = arith.andi %ne3A_414, %ne3A_417 : i1
          %sub3A_419 = arith.constant 1 : i32
          %sub3A_420 = arith.subi %div3A_399, %sub3A_419 : i32
          %select_n3A_421 = arith.select %and3A_418, %sub3A_420, %div3A_399 : i32
          %mul3A_422 = arith.constant 4096 : i32
          %mul3A_423 = arith.muli %select_n3A_421, %mul3A_422 : i32
          %sub3A_424 = arith.subi %add3A_397, %mul3A_423 : i32
          %dma_wait3A_425 = arith.constant 0 : i32
          %dma_wait3A_426 = tpu.memref_slice %arg4[%sub3A_424, %select_n3A_421, %dma_wait3A_425] : memref<4096x200x64xf32, #tpu.memory_space<hbm>> -> memref<256x1x64xf32, #tpu.memory_space<hbm>>
          %dma_wait3A_427 = tpu.memref_squeeze %dma_wait3A_426 : memref<256x1x64xf32, #tpu.memory_space<hbm>> -> memref<256x64xf32, #tpu.memory_space<hbm>>
          %dma_wait3A_428 = arith.constant 0 : i32
          %dma_wait3A_429 = tpu.memref_slice %arg4[%sub3A_424, %select_n3A_421, %dma_wait3A_428] : memref<4096x200x64xf32, #tpu.memory_space<hbm>> -> memref<256x1x64xf32, #tpu.memory_space<hbm>>
          %dma_wait3A_430 = tpu.memref_squeeze %dma_wait3A_429 : memref<256x1x64xf32, #tpu.memory_space<hbm>> -> memref<256x64xf32, #tpu.memory_space<hbm>>
          tpu.wait_dma2 semaphore(%arg17 : memref<!tpu.dma_semaphore, #tpu.memory_space<semaphore_mem>>) src(%arg9 : memref<256x64xf32, #tpu.memory_space<vmem>>) dst(%dma_wait3A_430 : memref<256x64xf32, #tpu.memory_space<hbm>>)
        } else {
        }
        %add3A_385 = arith.constant 2 : i32
        %add3A_386 = arith.addi %add3A_211, %add3A_385 : i32
        %mul3A_387 = arith.constant 256 : i32
        %mul3A_388 = arith.muli %add3A_386, %mul3A_387 : i32
        %dma_start3A_389 = tpu.memref_slice %arg5[%mul3A_388] : memref<25600xi32, #tpu.memory_space<vmem>> -> memref<256xi32, #tpu.memory_space<vmem>>
        %dma_start3A_390 = arith.constant 0 : i32
        %dma_start3A_391 = arith.constant 0 : i32
        %dma_start3A_392 = tpu.memref_slice %arg3[%dma_start3A_390, %dma_start3A_391] : memref<1000000x64xf32, #tpu.memory_space<hbm>> -> memref<1000000x64xf32, #tpu.memory_space<hbm>>
        tpu.enqueue_indirect_dma source(%dma_start3A_392 : memref<1000000x64xf32, #tpu.memory_space<hbm>>) target(%arg9 : memref<256x64xf32, #tpu.memory_space<vmem>>) offsets(%dma_start3A_389 : memref<256xi32, #tpu.memory_space<vmem>>) semaphore(%arg13 : memref<!tpu.dma_semaphore, #tpu.memory_space<semaphore_mem>>)
      } else {
      }
      %mul3A_219 = arith.constant 256 : i32
      %mul3A_220 = arith.muli %add3A_211, %mul3A_219 : i32
      %dma_wait3A_221 = tpu.memref_slice %arg5[%mul3A_220] : memref<25600xi32, #tpu.memory_space<vmem>> -> memref<256xi32, #tpu.memory_space<vmem>>
      %dma_wait3A_222 = arith.constant 0 : i32
      %dma_wait3A_223 = arith.constant 0 : i32
      %dma_wait3A_224 = tpu.memref_slice %arg3[%dma_wait3A_222, %dma_wait3A_223] : memref<1000000x64xf32, #tpu.memory_space<hbm>> -> memref<1000000x64xf32, #tpu.memory_space<hbm>>
      tpu.wait_indirect_dma semaphore(%arg11 : memref<!tpu.dma_semaphore, #tpu.memory_space<semaphore_mem>>) src(%dma_wait3A_224 : memref<1000000x64xf32, #tpu.memory_space<hbm>>) dst(%arg7 : memref<256x64xf32, #tpu.memory_space<vmem>>)
      %scan3A_225 = arith.constant 0 : i32
      %scan3A_226 = arith.constant 0 : i32
      %scan3A_227 = arith.constant 256 : i32
      %scan3A_228 = arith.addi %scan3A_226, %scan3A_227 : i32
      %scan3A_229 = arith.constant 2 : i32
      scf.for %scan3A_381 = %scan3A_226 to %scan3A_228 step %scan3A_229  : i32 {
        %get3A = arith.index_cast %scan3A_381 : i32 to index
        %get3A_382 = arith.constant 0 : index
        %get3A_383 = tpu.vector_load %arg7[%get3A, %get3A_382] {strides = array<i32>} : memref<256x64xf32, #tpu.memory_space<vmem>>, vector<1x16xf32>,
        %get3A_384 = vector.shape_cast %get3A_383 : vector<1x16xf32> to vector<16xf32>
        %mul3A_385 = arith.constant 8.000000e+00 : f32
        %mul3A_386 = vector.broadcast %mul3A_385 : f32 to vector<16xf32>
        %mul3A_387 = arith.mulf %get3A_384, %mul3A_386 : vector<16xf32>
        %swap3A = arith.index_cast %scan3A_381 : i32 to index
        %swap3A_388 = arith.constant 0 : index
        %swap3A_389 = tpu.vector_load %arg7[%swap3A, %swap3A_388] {strides = array<i32>} : memref<256x64xf32, #tpu.memory_space<vmem>>, vector<1x16xf32>,
        %swap3A_390 = vector.shape_cast %swap3A_389 : vector<1x16xf32> to vector<16xf32>
        %swap3A_391 = vector.shape_cast %mul3A_387 : vector<16xf32> to vector<1x16xf32>
        tpu.vector_store %arg7[%swap3A, %swap3A_388], %swap3A_391 {strides = array<i32>} : memref<256x64xf32, #tpu.memory_space<vmem>>, vector<1x16xf32>,
        %get3A_392 = arith.index_cast %scan3A_381 : i32 to index
        %get3A_393 = arith.constant 16 : index
        %get3A_394 = tpu.vector_load %arg7[%get3A_392, %get3A_393] {strides = array<i32>} : memref<256x64xf32, #tpu.memory_space<vmem>>, vector<1x16xf32>,
        %get3A_395 = vector.shape_cast %get3A_394 : vector<1x16xf32> to vector<16xf32>
        %mul3A_396 = arith.constant 8.000000e+00 : f32
        %mul3A_397 = vector.broadcast %mul3A_396 : f32 to vector<16xf32>
        %mul3A_398 = arith.mulf %get3A_395, %mul3A_397 : vector<16xf32>
        %swap3A_399 = arith.index_cast %scan3A_381 : i32 to index
        %swap3A_400 = arith.constant 16 : index
        %swap3A_401 = tpu.vector_load %arg7[%swap3A_399, %swap3A_400] {strides = array<i32>} : memref<256x64xf32, #tpu.memory_space<vmem>>, vector<1x16xf32>,
        %swap3A_402 = vector.shape_cast %swap3A_401 : vector<1x16xf32> to vector<16xf32>
        %swap3A_403 = vector.shape_cast %mul3A_398 : vector<16xf32> to vector<1x16xf32>
        tpu.vector_store %arg7[%swap3A_399, %swap3A_400], %swap3A_403 {strides = array<i32>} : memref<256x64xf32, #tpu.memory_space<vmem>>, vector<1x16xf32>,
        %get3A_404 = arith.index_cast %scan3A_381 : i32 to index
        %get3A_405 = arith.constant 32 : index
        %get3A_406 = tpu.vector_load %arg7[%get3A_404, %get3A_405] {strides = array<i32>} : memref<256x64xf32, #tpu.memory_space<vmem>>, vector<1x16xf32>,
        %get3A_407 = vector.shape_cast %get3A_406 : vector<1x16xf32> to vector<16xf32>
        %mul3A_408 = arith.constant 8.000000e+00 : f32
        %mul3A_409 = vector.broadcast %mul3A_408 : f32 to vector<16xf32>
        %mul3A_410 = arith.mulf %get3A_407, %mul3A_409 : vector<16xf32>
        %swap3A_411 = arith.index_cast %scan3A_381 : i32 to index
        %swap3A_412 = arith.constant 32 : index
        %swap3A_413 = tpu.vector_load %arg7[%swap3A_411, %swap3A_412] {strides = array<i32>} : memref<256x64xf32, #tpu.memory_space<vmem>>, vector<1x16xf32>,
        %swap3A_414 = vector.shape_cast %swap3A_413 : vector<1x16xf32> to vector<16xf32>
        %swap3A_415 = vector.shape_cast %mul3A_410 : vector<16xf32> to vector<1x16xf32>
        tpu.vector_store %arg7[%swap3A_411, %swap3A_412], %swap3A_415 {strides = array<i32>} : memref<256x64xf32, #tpu.memory_space<vmem>>, vector<1x16xf32>,
        %get3A_416 = arith.index_cast %scan3A_381 : i32 to index
        %get3A_417 = arith.constant 48 : index
        %get3A_418 = tpu.vector_load %arg7[%get3A_416, %get3A_417] {strides = array<i32>} : memref<256x64xf32, #tpu.memory_space<vmem>>, vector<1x16xf32>,
        %get3A_419 = vector.shape_cast %get3A_418 : vector<1x16xf32> to vector<16xf32>
        %mul3A_420 = arith.constant 8.000000e+00 : f32
        %mul3A_421 = vector.broadcast %mul3A_420 : f32 to vector<16xf32>
        %mul3A_422 = arith.mulf %get3A_419, %mul3A_421 : vector<16xf32>
        %swap3A_423 = arith.index_cast %scan3A_381 : i32 to index
        %swap3A_424 = arith.constant 48 : index
        %swap3A_425 = tpu.vector_load %arg7[%swap3A_423, %swap3A_424] {strides = array<i32>} : memref<256x64xf32, #tpu.memory_space<vmem>>, vector<1x16xf32>,
        %swap3A_426 = vector.shape_cast %swap3A_425 : vector<1x16xf32> to vector<16xf32>
        %swap3A_427 = vector.shape_cast %mul3A_422 : vector<16xf32> to vector<1x16xf32>
        tpu.vector_store %arg7[%swap3A_423, %swap3A_424], %swap3A_427 {strides = array<i32>} : memref<256x64xf32, #tpu.memory_space<vmem>>, vector<1x16xf32>,
        %scan3A_428 = arith.constant 1 : i32
        %scan3A_429 = arith.addi %scan3A_381, %scan3A_428 : i32
        %get3A_430 = arith.index_cast %scan3A_429 : i32 to index
        %get3A_431 = arith.constant 0 : index
        %get3A_432 = tpu.vector_load %arg7[%get3A_430, %get3A_431] {strides = array<i32>} : memref<256x64xf32, #tpu.memory_space<vmem>>, vector<1x16xf32>,
        %get3A_433 = vector.shape_cast %get3A_432 : vector<1x16xf32> to vector<16xf32>
        %mul3A_434 = arith.constant 8.000000e+00 : f32
        %mul3A_435 = vector.broadcast %mul3A_434 : f32 to vector<16xf32>
        %mul3A_436 = arith.mulf %get3A_433, %mul3A_435 : vector<16xf32>
        %swap3A_437 = arith.index_cast %scan3A_429 : i32 to index
        %swap3A_438 = arith.constant 0 : index
        %swap3A_439 = tpu.vector_load %arg7[%swap3A_437, %swap3A_438] {strides = array<i32>} : memref<256x64xf32, #tpu.memory_space<vmem>>, vector<1x16xf32>,
        %swap3A_440 = vector.shape_cast %swap3A_439 : vector<1x16xf32> to vector<16xf32>
        %swap3A_441 = vector.shape_cast %mul3A_436 : vector<16xf32> to vector<1x16xf32>
        tpu.vector_store %arg7[%swap3A_437, %swap3A_438], %swap3A_441 {strides = array<i32>} : memref<256x64xf32, #tpu.memory_space<vmem>>, vector<1x16xf32>,
        %get3A_442 = arith.index_cast %scan3A_429 : i32 to index
        %get3A_443 = arith.constant 16 : index
        %get3A_444 = tpu.vector_load %arg7[%get3A_442, %get3A_443] {strides = array<i32>} : memref<256x64xf32, #tpu.memory_space<vmem>>, vector<1x16xf32>,
        %get3A_445 = vector.shape_cast %get3A_444 : vector<1x16xf32> to vector<16xf32>
        %mul3A_446 = arith.constant 8.000000e+00 : f32
        %mul3A_447 = vector.broadcast %mul3A_446 : f32 to vector<16xf32>
        %mul3A_448 = arith.mulf %get3A_445, %mul3A_447 : vector<16xf32>
        %swap3A_449 = arith.index_cast %scan3A_429 : i32 to index
        %swap3A_450 = arith.constant 16 : index
        %swap3A_451 = tpu.vector_load %arg7[%swap3A_449, %swap3A_450] {strides = array<i32>} : memref<256x64xf32, #tpu.memory_space<vmem>>, vector<1x16xf32>,
        %swap3A_452 = vector.shape_cast %swap3A_451 : vector<1x16xf32> to vector<16xf32>
        %swap3A_453 = vector.shape_cast %mul3A_448 : vector<16xf32> to vector<1x16xf32>
        tpu.vector_store %arg7[%swap3A_449, %swap3A_450], %swap3A_453 {strides = array<i32>} : memref<256x64xf32, #tpu.memory_space<vmem>>, vector<1x16xf32>,
        %get3A_454 = arith.index_cast %scan3A_429 : i32 to index
        %get3A_455 = arith.constant 32 : index
        %get3A_456 = tpu.vector_load %arg7[%get3A_454, %get3A_455] {strides = array<i32>} : memref<256x64xf32, #tpu.memory_space<vmem>>, vector<1x16xf32>,
        %get3A_457 = vector.shape_cast %get3A_456 : vector<1x16xf32> to vector<16xf32>
        %mul3A_458 = arith.constant 8.000000e+00 : f32
        %mul3A_459 = vector.broadcast %mul3A_458 : f32 to vector<16xf32>
        %mul3A_460 = arith.mulf %get3A_457, %mul3A_459 : vector<16xf32>
        %swap3A_461 = arith.index_cast %scan3A_429 : i32 to index
        %swap3A_462 = arith.constant 32 : index
        %swap3A_463 = tpu.vector_load %arg7[%swap3A_461, %swap3A_462] {strides = array<i32>} : memref<256x64xf32, #tpu.memory_space<vmem>>, vector<1x16xf32>,
        %swap3A_464 = vector.shape_cast %swap3A_463 : vector<1x16xf32> to vector<16xf32>
        %swap3A_465 = vector.shape_cast %mul3A_460 : vector<16xf32> to vector<1x16xf32>
        tpu.vector_store %arg7[%swap3A_461, %swap3A_462], %swap3A_465 {strides = array<i32>} : memref<256x64xf32, #tpu.memory_space<vmem>>, vector<1x16xf32>,
        %get3A_466 = arith.index_cast %scan3A_429 : i32 to index
        %get3A_467 = arith.constant 48 : index
        %get3A_468 = tpu.vector_load %arg7[%get3A_466, %get3A_467] {strides = array<i32>} : memref<256x64xf32, #tpu.memory_space<vmem>>, vector<1x16xf32>,
        %get3A_469 = vector.shape_cast %get3A_468 : vector<1x16xf32> to vector<16xf32>
        %mul3A_470 = arith.constant 8.000000e+00 : f32
        %mul3A_471 = vector.broadcast %mul3A_470 : f32 to vector<16xf32>
        %mul3A_472 = arith.mulf %get3A_469, %mul3A_471 : vector<16xf32>
        %swap3A_473 = arith.index_cast %scan3A_429 : i32 to index
        %swap3A_474 = arith.constant 48 : index
        %swap3A_475 = tpu.vector_load %arg7[%swap3A_473, %swap3A_474] {strides = array<i32>} : memref<256x64xf32, #tpu.memory_space<vmem>>, vector<1x16xf32>,
        %swap3A_476 = vector.shape_cast %swap3A_475 : vector<1x16xf32> to vector<16xf32>
        %swap3A_477 = vector.shape_cast %mul3A_472 : vector<16xf32> to vector<1x16xf32>
        tpu.vector_store %arg7[%swap3A_473, %swap3A_474], %swap3A_477 {strides = array<i32>} : memref<256x64xf32, #tpu.memory_space<vmem>>, vector<1x16xf32>,
      }
      %scan3A_230 = arith.constant 256 : i32
      %mul3A_231 = arith.constant 256 : i32
      %mul3A_232 = arith.muli %add3A_211, %mul3A_231 : i32
      %add3A_233 = arith.addi %mul3A_2, %mul3A_232 : i32
      %jit3A_234 = arith.constant 4096 : i32
      %div3A_235 = arith.divsi %add3A_233, %jit3A_234 : i32
      %sign3A_236 = arith.constant 0 : i32
      %sign3A_237 = arith.cmpi sgt, %add3A_233, %sign3A_236 : i32
      %sign3A_238 = arith.extui %sign3A_237 : i1 to i32
      %sign3A_239 = arith.constant 0 : i32
      %sign3A_240 = arith.cmpi slt, %add3A_233, %sign3A_239 : i32
      %sign3A_241 = arith.extui %sign3A_240 : i1 to i32
      %sign3A_242 = arith.subi %sign3A_238, %sign3A_241 : i32
      %sign3A_243 = arith.constant 0 : i32
      %sign3A_244 = arith.cmpi sgt, %jit3A_234, %sign3A_243 : i32
      %sign3A_245 = arith.extui %sign3A_244 : i1 to i32
      %sign3A_246 = arith.constant 0 : i32
      %sign3A_247 = arith.cmpi slt, %jit3A_234, %sign3A_246 : i32
      %sign3A_248 = arith.extui %sign3A_247 : i1 to i32
      %sign3A_249 = arith.subi %sign3A_245, %sign3A_248 : i32
      %ne3A_250 = arith.cmpi ne, %sign3A_242, %sign3A_249 : i32
      %rem3A_251 = arith.remsi %add3A_233, %jit3A_234 : i32
      %ne3A_252 = arith.constant 0 : i32
      %ne3A_253 = arith.cmpi ne, %rem3A_251, %ne3A_252 : i32
      %and3A_254 = arith.andi %ne3A_250, %ne3A_253 : i1
      %sub3A_255 = arith.constant 1 : i32
      %sub3A_256 = arith.subi %div3A_235, %sub3A_255 : i32
      %select_n3A_257 = arith.select %and3A_254, %sub3A_256, %div3A_235 : i32
      %mul3A_258 = arith.constant 4096 : i32
      %mul3A_259 = arith.muli %select_n3A_257, %mul3A_258 : i32
      %sub3A_260 = arith.subi %add3A_233, %mul3A_259 : i32
      %dma_start3A_261 = arith.constant 0 : i32
      %dma_start3A_262 = tpu.memref_slice %arg4[%sub3A_260, %select_n3A_257, %dma_start3A_261] : memref<4096x200x64xf32, #tpu.memory_space<hbm>> -> memref<256x1x64xf32, #tpu.memory_space<hbm>>
      %dma_start3A_263 = tpu.memref_squeeze %dma_start3A_262 : memref<256x1x64xf32, #tpu.memory_space<hbm>> -> memref<256x64xf32, #tpu.memory_space<hbm>>
      %dma_start3A_264 = arith.constant 0 : i32
      %dma_start3A_265 = tpu.memref_slice %arg4[%sub3A_260, %select_n3A_257, %dma_start3A_264] : memref<4096x200x64xf32, #tpu.memory_space<hbm>> -> memref<256x1x64xf32, #tpu.memory_space<hbm>>
      %dma_start3A_266 = tpu.memref_squeeze %dma_start3A_265 : memref<256x1x64xf32, #tpu.memory_space<hbm>> -> memref<256x64xf32, #tpu.memory_space<hbm>>
      tpu.enqueue_dma source(%arg7 : memref<256x64xf32, #tpu.memory_space<vmem>>) target(%dma_start3A_266 : memref<256x64xf32, #tpu.memory_space<hbm>>) target_semaphore(%arg15 : memref<!tpu.dma_semaphore, #tpu.memory_space<semaphore_mem>>)
      %add3A_267 = arith.constant 2 : i32
      %add3A_268 = arith.addi %add3A_155, %add3A_267 : i32
      %add3A_269 = arith.constant 2 : i32
      %add3A_270 = arith.addi %add3A_268, %add3A_269 : i32
      %lt3A_271 = arith.constant 100 : i32
      %lt3A_272 = arith.cmpi slt, %add3A_270, %lt3A_271 : i32
      %convert_element_type3A_273 = arith.extui %lt3A_272 : i1 to i32
      %cond3A_274 = arith.constant 0 : i32
      %cond3A_275 = arith.cmpi ne, %convert_element_type3A_273, %cond3A_274 : i32
      scf.if %cond3A_275 {
        %ge3A = arith.constant 2 : i32
        %ge3A_381 = arith.cmpi sge, %add3A_268, %ge3A : i32
        %convert_element_type3A_382 = arith.extui %ge3A_381 : i1 to i32
        %cond3A_383 = arith.constant 0 : i32
        %cond3A_384 = arith.cmpi ne, %convert_element_type3A_382, %cond3A_383 : i32
        scf.if %cond3A_384 {
          %sub3A_393 = arith.constant 2 : i32
          %sub3A_394 = arith.subi %add3A_268, %sub3A_393 : i32
          %mul3A_395 = arith.constant 256 : i32
          %mul3A_396 = arith.muli %sub3A_394, %mul3A_395 : i32
          %add3A_397 = arith.addi %mul3A_2, %mul3A_396 : i32
          %jit3A_398 = arith.constant 4096 : i32
          %div3A_399 = arith.divsi %add3A_397, %jit3A_398 : i32
          %sign3A_400 = arith.constant 0 : i32
          %sign3A_401 = arith.cmpi sgt, %add3A_397, %sign3A_400 : i32
          %sign3A_402 = arith.extui %sign3A_401 : i1 to i32
          %sign3A_403 = arith.constant 0 : i32
          %sign3A_404 = arith.cmpi slt, %add3A_397, %sign3A_403 : i32
          %sign3A_405 = arith.extui %sign3A_404 : i1 to i32
          %sign3A_406 = arith.subi %sign3A_402, %sign3A_405 : i32
          %sign3A_407 = arith.constant 0 : i32
          %sign3A_408 = arith.cmpi sgt, %jit3A_398, %sign3A_407 : i32
          %sign3A_409 = arith.extui %sign3A_408 : i1 to i32
          %sign3A_410 = arith.constant 0 : i32
          %sign3A_411 = arith.cmpi slt, %jit3A_398, %sign3A_410 : i32
          %sign3A_412 = arith.extui %sign3A_411 : i1 to i32
          %sign3A_413 = arith.subi %sign3A_409, %sign3A_412 : i32
          %ne3A_414 = arith.cmpi ne, %sign3A_406, %sign3A_413 : i32
          %rem3A_415 = arith.remsi %add3A_397, %jit3A_398 : i32
          %ne3A_416 = arith.constant 0 : i32
          %ne3A_417 = arith.cmpi ne, %rem3A_415, %ne3A_416 : i32
          %and3A_418 = arith.andi %ne3A_414, %ne3A_417 : i1
          %sub3A_419 = arith.constant 1 : i32
          %sub3A_420 = arith.subi %div3A_399, %sub3A_419 : i32
          %select_n3A_421 = arith.select %and3A_418, %sub3A_420, %div3A_399 : i32
          %mul3A_422 = arith.constant 4096 : i32
          %mul3A_423 = arith.muli %select_n3A_421, %mul3A_422 : i32
          %sub3A_424 = arith.subi %add3A_397, %mul3A_423 : i32
          %dma_wait3A_425 = arith.constant 0 : i32
          %dma_wait3A_426 = tpu.memref_slice %arg4[%sub3A_424, %select_n3A_421, %dma_wait3A_425] : memref<4096x200x64xf32, #tpu.memory_space<hbm>> -> memref<256x1x64xf32, #tpu.memory_space<hbm>>
          %dma_wait3A_427 = tpu.memref_squeeze %dma_wait3A_426 : memref<256x1x64xf32, #tpu.memory_space<hbm>> -> memref<256x64xf32, #tpu.memory_space<hbm>>
          %dma_wait3A_428 = arith.constant 0 : i32
          %dma_wait3A_429 = tpu.memref_slice %arg4[%sub3A_424, %select_n3A_421, %dma_wait3A_428] : memref<4096x200x64xf32, #tpu.memory_space<hbm>> -> memref<256x1x64xf32, #tpu.memory_space<hbm>>
          %dma_wait3A_430 = tpu.memref_squeeze %dma_wait3A_429 : memref<256x1x64xf32, #tpu.memory_space<hbm>> -> memref<256x64xf32, #tpu.memory_space<hbm>>
          tpu.wait_dma2 semaphore(%arg14 : memref<!tpu.dma_semaphore, #tpu.memory_space<semaphore_mem>>) src(%arg6 : memref<256x64xf32, #tpu.memory_space<vmem>>) dst(%dma_wait3A_430 : memref<256x64xf32, #tpu.memory_space<hbm>>)
        } else {
        }
        %add3A_385 = arith.constant 2 : i32
        %add3A_386 = arith.addi %add3A_268, %add3A_385 : i32
        %mul3A_387 = arith.constant 256 : i32
        %mul3A_388 = arith.muli %add3A_386, %mul3A_387 : i32
        %dma_start3A_389 = tpu.memref_slice %arg5[%mul3A_388] : memref<25600xi32, #tpu.memory_space<vmem>> -> memref<256xi32, #tpu.memory_space<vmem>>
        %dma_start3A_390 = arith.constant 0 : i32
        %dma_start3A_391 = arith.constant 0 : i32
        %dma_start3A_392 = tpu.memref_slice %arg3[%dma_start3A_390, %dma_start3A_391] : memref<1000000x64xf32, #tpu.memory_space<hbm>> -> memref<1000000x64xf32, #tpu.memory_space<hbm>>
        tpu.enqueue_indirect_dma source(%dma_start3A_392 : memref<1000000x64xf32, #tpu.memory_space<hbm>>) target(%arg6 : memref<256x64xf32, #tpu.memory_space<vmem>>) offsets(%dma_start3A_389 : memref<256xi32, #tpu.memory_space<vmem>>) semaphore(%arg10 : memref<!tpu.dma_semaphore, #tpu.memory_space<semaphore_mem>>)
      } else {
      }
      %mul3A_276 = arith.constant 256 : i32
      %mul3A_277 = arith.muli %add3A_268, %mul3A_276 : i32
      %dma_wait3A_278 = tpu.memref_slice %arg5[%mul3A_277] : memref<25600xi32, #tpu.memory_space<vmem>> -> memref<256xi32, #tpu.memory_space<vmem>>
      %dma_wait3A_279 = arith.constant 0 : i32
      %dma_wait3A_280 = arith.constant 0 : i32
      %dma_wait3A_281 = tpu.memref_slice %arg3[%dma_wait3A_279, %dma_wait3A_280] : memref<1000000x64xf32, #tpu.memory_space<hbm>> -> memref<1000000x64xf32, #tpu.memory_space<hbm>>
      tpu.wait_indirect_dma semaphore(%arg12 : memref<!tpu.dma_semaphore, #tpu.memory_space<semaphore_mem>>) src(%dma_wait3A_281 : memref<1000000x64xf32, #tpu.memory_space<hbm>>) dst(%arg8 : memref<256x64xf32, #tpu.memory_space<vmem>>)
      %scan3A_282 = arith.constant 0 : i32
      %scan3A_283 = arith.constant 0 : i32
      %scan3A_284 = arith.constant 256 : i32
      %scan3A_285 = arith.addi %scan3A_283, %scan3A_284 : i32
      %scan3A_286 = arith.constant 2 : i32
      scf.for %scan3A_381 = %scan3A_283 to %scan3A_285 step %scan3A_286  : i32 {
        %get3A = arith.index_cast %scan3A_381 : i32 to index
        %get3A_382 = arith.constant 0 : index
        %get3A_383 = tpu.vector_load %arg8[%get3A, %get3A_382] {strides = array<i32>} : memref<256x64xf32, #tpu.memory_space<vmem>>, vector<1x16xf32>,
        %get3A_384 = vector.shape_cast %get3A_383 : vector<1x16xf32> to vector<16xf32>
        %mul3A_385 = arith.constant 8.000000e+00 : f32
        %mul3A_386 = vector.broadcast %mul3A_385 : f32 to vector<16xf32>
        %mul3A_387 = arith.mulf %get3A_384, %mul3A_386 : vector<16xf32>
        %swap3A = arith.index_cast %scan3A_381 : i32 to index
        %swap3A_388 = arith.constant 0 : index
        %swap3A_389 = tpu.vector_load %arg8[%swap3A, %swap3A_388] {strides = array<i32>} : memref<256x64xf32, #tpu.memory_space<vmem>>, vector<1x16xf32>,
        %swap3A_390 = vector.shape_cast %swap3A_389 : vector<1x16xf32> to vector<16xf32>
        %swap3A_391 = vector.shape_cast %mul3A_387 : vector<16xf32> to vector<1x16xf32>
        tpu.vector_store %arg8[%swap3A, %swap3A_388], %swap3A_391 {strides = array<i32>} : memref<256x64xf32, #tpu.memory_space<vmem>>, vector<1x16xf32>,
        %get3A_392 = arith.index_cast %scan3A_381 : i32 to index
        %get3A_393 = arith.constant 16 : index
        %get3A_394 = tpu.vector_load %arg8[%get3A_392, %get3A_393] {strides = array<i32>} : memref<256x64xf32, #tpu.memory_space<vmem>>, vector<1x16xf32>,
        %get3A_395 = vector.shape_cast %get3A_394 : vector<1x16xf32> to vector<16xf32>
        %mul3A_396 = arith.constant 8.000000e+00 : f32
        %mul3A_397 = vector.broadcast %mul3A_396 : f32 to vector<16xf32>
        %mul3A_398 = arith.mulf %get3A_395, %mul3A_397 : vector<16xf32>
        %swap3A_399 = arith.index_cast %scan3A_381 : i32 to index
        %swap3A_400 = arith.constant 16 : index
        %swap3A_401 = tpu.vector_load %arg8[%swap3A_399, %swap3A_400] {strides = array<i32>} : memref<256x64xf32, #tpu.memory_space<vmem>>, vector<1x16xf32>,
        %swap3A_402 = vector.shape_cast %swap3A_401 : vector<1x16xf32> to vector<16xf32>
        %swap3A_403 = vector.shape_cast %mul3A_398 : vector<16xf32> to vector<1x16xf32>
        tpu.vector_store %arg8[%swap3A_399, %swap3A_400], %swap3A_403 {strides = array<i32>} : memref<256x64xf32, #tpu.memory_space<vmem>>, vector<1x16xf32>,
        %get3A_404 = arith.index_cast %scan3A_381 : i32 to index
        %get3A_405 = arith.constant 32 : index
        %get3A_406 = tpu.vector_load %arg8[%get3A_404, %get3A_405] {strides = array<i32>} : memref<256x64xf32, #tpu.memory_space<vmem>>, vector<1x16xf32>,
        %get3A_407 = vector.shape_cast %get3A_406 : vector<1x16xf32> to vector<16xf32>
        %mul3A_408 = arith.constant 8.000000e+00 : f32
        %mul3A_409 = vector.broadcast %mul3A_408 : f32 to vector<16xf32>
        %mul3A_410 = arith.mulf %get3A_407, %mul3A_409 : vector<16xf32>
        %swap3A_411 = arith.index_cast %scan3A_381 : i32 to index
        %swap3A_412 = arith.constant 32 : index
        %swap3A_413 = tpu.vector_load %arg8[%swap3A_411, %swap3A_412] {strides = array<i32>} : memref<256x64xf32, #tpu.memory_space<vmem>>, vector<1x16xf32>,
        %swap3A_414 = vector.shape_cast %swap3A_413 : vector<1x16xf32> to vector<16xf32>
        %swap3A_415 = vector.shape_cast %mul3A_410 : vector<16xf32> to vector<1x16xf32>
        tpu.vector_store %arg8[%swap3A_411, %swap3A_412], %swap3A_415 {strides = array<i32>} : memref<256x64xf32, #tpu.memory_space<vmem>>, vector<1x16xf32>,
        %get3A_416 = arith.index_cast %scan3A_381 : i32 to index
        %get3A_417 = arith.constant 48 : index
        %get3A_418 = tpu.vector_load %arg8[%get3A_416, %get3A_417] {strides = array<i32>} : memref<256x64xf32, #tpu.memory_space<vmem>>, vector<1x16xf32>,
        %get3A_419 = vector.shape_cast %get3A_418 : vector<1x16xf32> to vector<16xf32>
        %mul3A_420 = arith.constant 8.000000e+00 : f32
        %mul3A_421 = vector.broadcast %mul3A_420 : f32 to vector<16xf32>
        %mul3A_422 = arith.mulf %get3A_419, %mul3A_421 : vector<16xf32>
        %swap3A_423 = arith.index_cast %scan3A_381 : i32 to index
        %swap3A_424 = arith.constant 48 : index
        %swap3A_425 = tpu.vector_load %arg8[%swap3A_423, %swap3A_424] {strides = array<i32>} : memref<256x64xf32, #tpu.memory_space<vmem>>, vector<1x16xf32>,
        %swap3A_426 = vector.shape_cast %swap3A_425 : vector<1x16xf32> to vector<16xf32>
        %swap3A_427 = vector.shape_cast %mul3A_422 : vector<16xf32> to vector<1x16xf32>
        tpu.vector_store %arg8[%swap3A_423, %swap3A_424], %swap3A_427 {strides = array<i32>} : memref<256x64xf32, #tpu.memory_space<vmem>>, vector<1x16xf32>,
        %scan3A_428 = arith.constant 1 : i32
        %scan3A_429 = arith.addi %scan3A_381, %scan3A_428 : i32
        %get3A_430 = arith.index_cast %scan3A_429 : i32 to index
        %get3A_431 = arith.constant 0 : index
        %get3A_432 = tpu.vector_load %arg8[%get3A_430, %get3A_431] {strides = array<i32>} : memref<256x64xf32, #tpu.memory_space<vmem>>, vector<1x16xf32>,
        %get3A_433 = vector.shape_cast %get3A_432 : vector<1x16xf32> to vector<16xf32>
        %mul3A_434 = arith.constant 8.000000e+00 : f32
        %mul3A_435 = vector.broadcast %mul3A_434 : f32 to vector<16xf32>
        %mul3A_436 = arith.mulf %get3A_433, %mul3A_435 : vector<16xf32>
        %swap3A_437 = arith.index_cast %scan3A_429 : i32 to index
        %swap3A_438 = arith.constant 0 : index
        %swap3A_439 = tpu.vector_load %arg8[%swap3A_437, %swap3A_438] {strides = array<i32>} : memref<256x64xf32, #tpu.memory_space<vmem>>, vector<1x16xf32>,
        %swap3A_440 = vector.shape_cast %swap3A_439 : vector<1x16xf32> to vector<16xf32>
        %swap3A_441 = vector.shape_cast %mul3A_436 : vector<16xf32> to vector<1x16xf32>
        tpu.vector_store %arg8[%swap3A_437, %swap3A_438], %swap3A_441 {strides = array<i32>} : memref<256x64xf32, #tpu.memory_space<vmem>>, vector<1x16xf32>,
        %get3A_442 = arith.index_cast %scan3A_429 : i32 to index
        %get3A_443 = arith.constant 16 : index
        %get3A_444 = tpu.vector_load %arg8[%get3A_442, %get3A_443] {strides = array<i32>} : memref<256x64xf32, #tpu.memory_space<vmem>>, vector<1x16xf32>,
        %get3A_445 = vector.shape_cast %get3A_444 : vector<1x16xf32> to vector<16xf32>
        %mul3A_446 = arith.constant 8.000000e+00 : f32
        %mul3A_447 = vector.broadcast %mul3A_446 : f32 to vector<16xf32>
        %mul3A_448 = arith.mulf %get3A_445, %mul3A_447 : vector<16xf32>
        %swap3A_449 = arith.index_cast %scan3A_429 : i32 to index
        %swap3A_450 = arith.constant 16 : index
        %swap3A_451 = tpu.vector_load %arg8[%swap3A_449, %swap3A_450] {strides = array<i32>} : memref<256x64xf32, #tpu.memory_space<vmem>>, vector<1x16xf32>,
        %swap3A_452 = vector.shape_cast %swap3A_451 : vector<1x16xf32> to vector<16xf32>
        %swap3A_453 = vector.shape_cast %mul3A_448 : vector<16xf32> to vector<1x16xf32>
        tpu.vector_store %arg8[%swap3A_449, %swap3A_450], %swap3A_453 {strides = array<i32>} : memref<256x64xf32, #tpu.memory_space<vmem>>, vector<1x16xf32>,
        %get3A_454 = arith.index_cast %scan3A_429 : i32 to index
        %get3A_455 = arith.constant 32 : index
        %get3A_456 = tpu.vector_load %arg8[%get3A_454, %get3A_455] {strides = array<i32>} : memref<256x64xf32, #tpu.memory_space<vmem>>, vector<1x16xf32>,
        %get3A_457 = vector.shape_cast %get3A_456 : vector<1x16xf32> to vector<16xf32>
        %mul3A_458 = arith.constant 8.000000e+00 : f32
        %mul3A_459 = vector.broadcast %mul3A_458 : f32 to vector<16xf32>
        %mul3A_460 = arith.mulf %get3A_457, %mul3A_459 : vector<16xf32>
        %swap3A_461 = arith.index_cast %scan3A_429 : i32 to index
        %swap3A_462 = arith.constant 32 : index
        %swap3A_463 = tpu.vector_load %arg8[%swap3A_461, %swap3A_462] {strides = array<i32>} : memref<256x64xf32, #tpu.memory_space<vmem>>, vector<1x16xf32>,
        %swap3A_464 = vector.shape_cast %swap3A_463 : vector<1x16xf32> to vector<16xf32>
        %swap3A_465 = vector.shape_cast %mul3A_460 : vector<16xf32> to vector<1x16xf32>
        tpu.vector_store %arg8[%swap3A_461, %swap3A_462], %swap3A_465 {strides = array<i32>} : memref<256x64xf32, #tpu.memory_space<vmem>>, vector<1x16xf32>,
        %get3A_466 = arith.index_cast %scan3A_429 : i32 to index
        %get3A_467 = arith.constant 48 : index
        %get3A_468 = tpu.vector_load %arg8[%get3A_466, %get3A_467] {strides = array<i32>} : memref<256x64xf32, #tpu.memory_space<vmem>>, vector<1x16xf32>,
        %get3A_469 = vector.shape_cast %get3A_468 : vector<1x16xf32> to vector<16xf32>
        %mul3A_470 = arith.constant 8.000000e+00 : f32
        %mul3A_471 = vector.broadcast %mul3A_470 : f32 to vector<16xf32>
        %mul3A_472 = arith.mulf %get3A_469, %mul3A_471 : vector<16xf32>
        %swap3A_473 = arith.index_cast %scan3A_429 : i32 to index
        %swap3A_474 = arith.constant 48 : index
        %swap3A_475 = tpu.vector_load %arg8[%swap3A_473, %swap3A_474] {strides = array<i32>} : memref<256x64xf32, #tpu.memory_space<vmem>>, vector<1x16xf32>,
        %swap3A_476 = vector.shape_cast %swap3A_475 : vector<1x16xf32> to vector<16xf32>
        %swap3A_477 = vector.shape_cast %mul3A_472 : vector<16xf32> to vector<1x16xf32>
        tpu.vector_store %arg8[%swap3A_473, %swap3A_474], %swap3A_477 {strides = array<i32>} : memref<256x64xf32, #tpu.memory_space<vmem>>, vector<1x16xf32>,
      }
      %scan3A_287 = arith.constant 256 : i32
      %mul3A_288 = arith.constant 256 : i32
      %mul3A_289 = arith.muli %add3A_268, %mul3A_288 : i32
      %add3A_290 = arith.addi %mul3A_2, %mul3A_289 : i32
      %jit3A_291 = arith.constant 4096 : i32
      %div3A_292 = arith.divsi %add3A_290, %jit3A_291 : i32
      %sign3A_293 = arith.constant 0 : i32
      %sign3A_294 = arith.cmpi sgt, %add3A_290, %sign3A_293 : i32
      %sign3A_295 = arith.extui %sign3A_294 : i1 to i32
      %sign3A_296 = arith.constant 0 : i32
      %sign3A_297 = arith.cmpi slt, %add3A_290, %sign3A_296 : i32
      %sign3A_298 = arith.extui %sign3A_297 : i1 to i32
      %sign3A_299 = arith.subi %sign3A_295, %sign3A_298 : i32
      %sign3A_300 = arith.constant 0 : i32
      %sign3A_301 = arith.cmpi sgt, %jit3A_291, %sign3A_300 : i32
      %sign3A_302 = arith.extui %sign3A_301 : i1 to i32
      %sign3A_303 = arith.constant 0 : i32
      %sign3A_304 = arith.cmpi slt, %jit3A_291, %sign3A_303 : i32
      %sign3A_305 = arith.extui %sign3A_304 : i1 to i32
      %sign3A_306 = arith.subi %sign3A_302, %sign3A_305 : i32
      %ne3A_307 = arith.cmpi ne, %sign3A_299, %sign3A_306 : i32
      %rem3A_308 = arith.remsi %add3A_290, %jit3A_291 : i32
      %ne3A_309 = arith.constant 0 : i32
      %ne3A_310 = arith.cmpi ne, %rem3A_308, %ne3A_309 : i32
      %and3A_311 = arith.andi %ne3A_307, %ne3A_310 : i1
      %sub3A_312 = arith.constant 1 : i32
      %sub3A_313 = arith.subi %div3A_292, %sub3A_312 : i32
      %select_n3A_314 = arith.select %and3A_311, %sub3A_313, %div3A_292 : i32
      %mul3A_315 = arith.constant 4096 : i32
      %mul3A_316 = arith.muli %select_n3A_314, %mul3A_315 : i32
      %sub3A_317 = arith.subi %add3A_290, %mul3A_316 : i32
      %dma_start3A_318 = arith.constant 0 : i32
      %dma_start3A_319 = tpu.memref_slice %arg4[%sub3A_317, %select_n3A_314, %dma_start3A_318] : memref<4096x200x64xf32, #tpu.memory_space<hbm>> -> memref<256x1x64xf32, #tpu.memory_space<hbm>>
      %dma_start3A_320 = tpu.memref_squeeze %dma_start3A_319 : memref<256x1x64xf32, #tpu.memory_space<hbm>> -> memref<256x64xf32, #tpu.memory_space<hbm>>
      %dma_start3A_321 = arith.constant 0 : i32
      %dma_start3A_322 = tpu.memref_slice %arg4[%sub3A_317, %select_n3A_314, %dma_start3A_321] : memref<4096x200x64xf32, #tpu.memory_space<hbm>> -> memref<256x1x64xf32, #tpu.memory_space<hbm>>
      %dma_start3A_323 = tpu.memref_squeeze %dma_start3A_322 : memref<256x1x64xf32, #tpu.memory_space<hbm>> -> memref<256x64xf32, #tpu.memory_space<hbm>>
      tpu.enqueue_dma source(%arg8 : memref<256x64xf32, #tpu.memory_space<vmem>>) target(%dma_start3A_323 : memref<256x64xf32, #tpu.memory_space<hbm>>) target_semaphore(%arg16 : memref<!tpu.dma_semaphore, #tpu.memory_space<semaphore_mem>>)
      %add3A_324 = arith.constant 3 : i32
      %add3A_325 = arith.addi %add3A_155, %add3A_324 : i32
      %add3A_326 = arith.constant 2 : i32
      %add3A_327 = arith.addi %add3A_325, %add3A_326 : i32
      %lt3A_328 = arith.constant 100 : i32
      %lt3A_329 = arith.cmpi slt, %add3A_327, %lt3A_328 : i32
      %convert_element_type3A_330 = arith.extui %lt3A_329 : i1 to i32
      %cond3A_331 = arith.constant 0 : i32
      %cond3A_332 = arith.cmpi ne, %convert_element_type3A_330, %cond3A_331 : i32
      scf.if %cond3A_332 {
        %ge3A = arith.constant 2 : i32
        %ge3A_381 = arith.cmpi sge, %add3A_325, %ge3A : i32
        %convert_element_type3A_382 = arith.extui %ge3A_381 : i1 to i32
        %cond3A_383 = arith.constant 0 : i32
        %cond3A_384 = arith.cmpi ne, %convert_element_type3A_382, %cond3A_383 : i32
        scf.if %cond3A_384 {
          %sub3A_393 = arith.constant 2 : i32
          %sub3A_394 = arith.subi %add3A_325, %sub3A_393 : i32
          %mul3A_395 = arith.constant 256 : i32
          %mul3A_396 = arith.muli %sub3A_394, %mul3A_395 : i32
          %add3A_397 = arith.addi %mul3A_2, %mul3A_396 : i32
          %jit3A_398 = arith.constant 4096 : i32
          %div3A_399 = arith.divsi %add3A_397, %jit3A_398 : i32
          %sign3A_400 = arith.constant 0 : i32
          %sign3A_401 = arith.cmpi sgt, %add3A_397, %sign3A_400 : i32
          %sign3A_402 = arith.extui %sign3A_401 : i1 to i32
          %sign3A_403 = arith.constant 0 : i32
          %sign3A_404 = arith.cmpi slt, %add3A_397, %sign3A_403 : i32
          %sign3A_405 = arith.extui %sign3A_404 : i1 to i32
          %sign3A_406 = arith.subi %sign3A_402, %sign3A_405 : i32
          %sign3A_407 = arith.constant 0 : i32
          %sign3A_408 = arith.cmpi sgt, %jit3A_398, %sign3A_407 : i32
          %sign3A_409 = arith.extui %sign3A_408 : i1 to i32
          %sign3A_410 = arith.constant 0 : i32
          %sign3A_411 = arith.cmpi slt, %jit3A_398, %sign3A_410 : i32
          %sign3A_412 = arith.extui %sign3A_411 : i1 to i32
          %sign3A_413 = arith.subi %sign3A_409, %sign3A_412 : i32
          %ne3A_414 = arith.cmpi ne, %sign3A_406, %sign3A_413 : i32
          %rem3A_415 = arith.remsi %add3A_397, %jit3A_398 : i32
          %ne3A_416 = arith.constant 0 : i32
          %ne3A_417 = arith.cmpi ne, %rem3A_415, %ne3A_416 : i32
          %and3A_418 = arith.andi %ne3A_414, %ne3A_417 : i1
          %sub3A_419 = arith.constant 1 : i32
          %sub3A_420 = arith.subi %div3A_399, %sub3A_419 : i32
          %select_n3A_421 = arith.select %and3A_418, %sub3A_420, %div3A_399 : i32
          %mul3A_422 = arith.constant 4096 : i32
          %mul3A_423 = arith.muli %select_n3A_421, %mul3A_422 : i32
          %sub3A_424 = arith.subi %add3A_397, %mul3A_423 : i32
          %dma_wait3A_425 = arith.constant 0 : i32
          %dma_wait3A_426 = tpu.memref_slice %arg4[%sub3A_424, %select_n3A_421, %dma_wait3A_425] : memref<4096x200x64xf32, #tpu.memory_space<hbm>> -> memref<256x1x64xf32, #tpu.memory_space<hbm>>
          %dma_wait3A_427 = tpu.memref_squeeze %dma_wait3A_426 : memref<256x1x64xf32, #tpu.memory_space<hbm>> -> memref<256x64xf32, #tpu.memory_space<hbm>>
          %dma_wait3A_428 = arith.constant 0 : i32
          %dma_wait3A_429 = tpu.memref_slice %arg4[%sub3A_424, %select_n3A_421, %dma_wait3A_428] : memref<4096x200x64xf32, #tpu.memory_space<hbm>> -> memref<256x1x64xf32, #tpu.memory_space<hbm>>
          %dma_wait3A_430 = tpu.memref_squeeze %dma_wait3A_429 : memref<256x1x64xf32, #tpu.memory_space<hbm>> -> memref<256x64xf32, #tpu.memory_space<hbm>>
          tpu.wait_dma2 semaphore(%arg15 : memref<!tpu.dma_semaphore, #tpu.memory_space<semaphore_mem>>) src(%arg7 : memref<256x64xf32, #tpu.memory_space<vmem>>) dst(%dma_wait3A_430 : memref<256x64xf32, #tpu.memory_space<hbm>>)
        } else {
        }
        %add3A_385 = arith.constant 2 : i32
        %add3A_386 = arith.addi %add3A_325, %add3A_385 : i32
        %mul3A_387 = arith.constant 256 : i32
        %mul3A_388 = arith.muli %add3A_386, %mul3A_387 : i32
        %dma_start3A_389 = tpu.memref_slice %arg5[%mul3A_388] : memref<25600xi32, #tpu.memory_space<vmem>> -> memref<256xi32, #tpu.memory_space<vmem>>
        %dma_start3A_390 = arith.constant 0 : i32
        %dma_start3A_391 = arith.constant 0 : i32
        %dma_start3A_392 = tpu.memref_slice %arg3[%dma_start3A_390, %dma_start3A_391] : memref<1000000x64xf32, #tpu.memory_space<hbm>> -> memref<1000000x64xf32, #tpu.memory_space<hbm>>
        tpu.enqueue_indirect_dma source(%dma_start3A_392 : memref<1000000x64xf32, #tpu.memory_space<hbm>>) target(%arg7 : memref<256x64xf32, #tpu.memory_space<vmem>>) offsets(%dma_start3A_389 : memref<256xi32, #tpu.memory_space<vmem>>) semaphore(%arg11 : memref<!tpu.dma_semaphore, #tpu.memory_space<semaphore_mem>>)
      } else {
      }
      %mul3A_333 = arith.constant 256 : i32
      %mul3A_334 = arith.muli %add3A_325, %mul3A_333 : i32
      %dma_wait3A_335 = tpu.memref_slice %arg5[%mul3A_334] : memref<25600xi32, #tpu.memory_space<vmem>> -> memref<256xi32, #tpu.memory_space<vmem>>
      %dma_wait3A_336 = arith.constant 0 : i32
      %dma_wait3A_337 = arith.constant 0 : i32
      %dma_wait3A_338 = tpu.memref_slice %arg3[%dma_wait3A_336, %dma_wait3A_337] : memref<1000000x64xf32, #tpu.memory_space<hbm>> -> memref<1000000x64xf32, #tpu.memory_space<hbm>>
      tpu.wait_indirect_dma semaphore(%arg13 : memref<!tpu.dma_semaphore, #tpu.memory_space<semaphore_mem>>) src(%dma_wait3A_338 : memref<1000000x64xf32, #tpu.memory_space<hbm>>) dst(%arg9 : memref<256x64xf32, #tpu.memory_space<vmem>>)
      %scan3A_339 = arith.constant 0 : i32
      %scan3A_340 = arith.constant 0 : i32
      %scan3A_341 = arith.constant 256 : i32
      %scan3A_342 = arith.addi %scan3A_340, %scan3A_341 : i32
      %scan3A_343 = arith.constant 2 : i32
      scf.for %scan3A_381 = %scan3A_340 to %scan3A_342 step %scan3A_343  : i32 {
        %get3A = arith.index_cast %scan3A_381 : i32 to index
        %get3A_382 = arith.constant 0 : index
        %get3A_383 = tpu.vector_load %arg9[%get3A, %get3A_382] {strides = array<i32>} : memref<256x64xf32, #tpu.memory_space<vmem>>, vector<1x16xf32>,
        %get3A_384 = vector.shape_cast %get3A_383 : vector<1x16xf32> to vector<16xf32>
        %mul3A_385 = arith.constant 8.000000e+00 : f32
        %mul3A_386 = vector.broadcast %mul3A_385 : f32 to vector<16xf32>
        %mul3A_387 = arith.mulf %get3A_384, %mul3A_386 : vector<16xf32>
        %swap3A = arith.index_cast %scan3A_381 : i32 to index
        %swap3A_388 = arith.constant 0 : index
        %swap3A_389 = tpu.vector_load %arg9[%swap3A, %swap3A_388] {strides = array<i32>} : memref<256x64xf32, #tpu.memory_space<vmem>>, vector<1x16xf32>,
        %swap3A_390 = vector.shape_cast %swap3A_389 : vector<1x16xf32> to vector<16xf32>
        %swap3A_391 = vector.shape_cast %mul3A_387 : vector<16xf32> to vector<1x16xf32>
        tpu.vector_store %arg9[%swap3A, %swap3A_388], %swap3A_391 {strides = array<i32>} : memref<256x64xf32, #tpu.memory_space<vmem>>, vector<1x16xf32>,
        %get3A_392 = arith.index_cast %scan3A_381 : i32 to index
        %get3A_393 = arith.constant 16 : index
        %get3A_394 = tpu.vector_load %arg9[%get3A_392, %get3A_393] {strides = array<i32>} : memref<256x64xf32, #tpu.memory_space<vmem>>, vector<1x16xf32>,
        %get3A_395 = vector.shape_cast %get3A_394 : vector<1x16xf32> to vector<16xf32>
        %mul3A_396 = arith.constant 8.000000e+00 : f32
        %mul3A_397 = vector.broadcast %mul3A_396 : f32 to vector<16xf32>
        %mul3A_398 = arith.mulf %get3A_395, %mul3A_397 : vector<16xf32>
        %swap3A_399 = arith.index_cast %scan3A_381 : i32 to index
        %swap3A_400 = arith.constant 16 : index
        %swap3A_401 = tpu.vector_load %arg9[%swap3A_399, %swap3A_400] {strides = array<i32>} : memref<256x64xf32, #tpu.memory_space<vmem>>, vector<1x16xf32>,
        %swap3A_402 = vector.shape_cast %swap3A_401 : vector<1x16xf32> to vector<16xf32>
        %swap3A_403 = vector.shape_cast %mul3A_398 : vector<16xf32> to vector<1x16xf32>
        tpu.vector_store %arg9[%swap3A_399, %swap3A_400], %swap3A_403 {strides = array<i32>} : memref<256x64xf32, #tpu.memory_space<vmem>>, vector<1x16xf32>,
        %get3A_404 = arith.index_cast %scan3A_381 : i32 to index
        %get3A_405 = arith.constant 32 : index
        %get3A_406 = tpu.vector_load %arg9[%get3A_404, %get3A_405] {strides = array<i32>} : memref<256x64xf32, #tpu.memory_space<vmem>>, vector<1x16xf32>,
        %get3A_407 = vector.shape_cast %get3A_406 : vector<1x16xf32> to vector<16xf32>
        %mul3A_408 = arith.constant 8.000000e+00 : f32
        %mul3A_409 = vector.broadcast %mul3A_408 : f32 to vector<16xf32>
        %mul3A_410 = arith.mulf %get3A_407, %mul3A_409 : vector<16xf32>
        %swap3A_411 = arith.index_cast %scan3A_381 : i32 to index
        %swap3A_412 = arith.constant 32 : index
        %swap3A_413 = tpu.vector_load %arg9[%swap3A_411, %swap3A_412] {strides = array<i32>} : memref<256x64xf32, #tpu.memory_space<vmem>>, vector<1x16xf32>,
        %swap3A_414 = vector.shape_cast %swap3A_413 : vector<1x16xf32> to vector<16xf32>
        %swap3A_415 = vector.shape_cast %mul3A_410 : vector<16xf32> to vector<1x16xf32>
        tpu.vector_store %arg9[%swap3A_411, %swap3A_412], %swap3A_415 {strides = array<i32>} : memref<256x64xf32, #tpu.memory_space<vmem>>, vector<1x16xf32>,
        %get3A_416 = arith.index_cast %scan3A_381 : i32 to index
        %get3A_417 = arith.constant 48 : index
        %get3A_418 = tpu.vector_load %arg9[%get3A_416, %get3A_417] {strides = array<i32>} : memref<256x64xf32, #tpu.memory_space<vmem>>, vector<1x16xf32>,
        %get3A_419 = vector.shape_cast %get3A_418 : vector<1x16xf32> to vector<16xf32>
        %mul3A_420 = arith.constant 8.000000e+00 : f32
        %mul3A_421 = vector.broadcast %mul3A_420 : f32 to vector<16xf32>
        %mul3A_422 = arith.mulf %get3A_419, %mul3A_421 : vector<16xf32>
        %swap3A_423 = arith.index_cast %scan3A_381 : i32 to index
        %swap3A_424 = arith.constant 48 : index
        %swap3A_425 = tpu.vector_load %arg9[%swap3A_423, %swap3A_424] {strides = array<i32>} : memref<256x64xf32, #tpu.memory_space<vmem>>, vector<1x16xf32>,
        %swap3A_426 = vector.shape_cast %swap3A_425 : vector<1x16xf32> to vector<16xf32>
        %swap3A_427 = vector.shape_cast %mul3A_422 : vector<16xf32> to vector<1x16xf32>
        tpu.vector_store %arg9[%swap3A_423, %swap3A_424], %swap3A_427 {strides = array<i32>} : memref<256x64xf32, #tpu.memory_space<vmem>>, vector<1x16xf32>,
        %scan3A_428 = arith.constant 1 : i32
        %scan3A_429 = arith.addi %scan3A_381, %scan3A_428 : i32
        %get3A_430 = arith.index_cast %scan3A_429 : i32 to index
        %get3A_431 = arith.constant 0 : index
        %get3A_432 = tpu.vector_load %arg9[%get3A_430, %get3A_431] {strides = array<i32>} : memref<256x64xf32, #tpu.memory_space<vmem>>, vector<1x16xf32>,
        %get3A_433 = vector.shape_cast %get3A_432 : vector<1x16xf32> to vector<16xf32>
        %mul3A_434 = arith.constant 8.000000e+00 : f32
        %mul3A_435 = vector.broadcast %mul3A_434 : f32 to vector<16xf32>
        %mul3A_436 = arith.mulf %get3A_433, %mul3A_435 : vector<16xf32>
        %swap3A_437 = arith.index_cast %scan3A_429 : i32 to index
        %swap3A_438 = arith.constant 0 : index
        %swap3A_439 = tpu.vector_load %arg9[%swap3A_437, %swap3A_438] {strides = array<i32>} : memref<256x64xf32, #tpu.memory_space<vmem>>, vector<1x16xf32>,
        %swap3A_440 = vector.shape_cast %swap3A_439 : vector<1x16xf32> to vector<16xf32>
        %swap3A_441 = vector.shape_cast %mul3A_436 : vector<16xf32> to vector<1x16xf32>
        tpu.vector_store %arg9[%swap3A_437, %swap3A_438], %swap3A_441 {strides = array<i32>} : memref<256x64xf32, #tpu.memory_space<vmem>>, vector<1x16xf32>,
        %get3A_442 = arith.index_cast %scan3A_429 : i32 to index
        %get3A_443 = arith.constant 16 : index
        %get3A_444 = tpu.vector_load %arg9[%get3A_442, %get3A_443] {strides = array<i32>} : memref<256x64xf32, #tpu.memory_space<vmem>>, vector<1x16xf32>,
        %get3A_445 = vector.shape_cast %get3A_444 : vector<1x16xf32> to vector<16xf32>
        %mul3A_446 = arith.constant 8.000000e+00 : f32
        %mul3A_447 = vector.broadcast %mul3A_446 : f32 to vector<16xf32>
        %mul3A_448 = arith.mulf %get3A_445, %mul3A_447 : vector<16xf32>
        %swap3A_449 = arith.index_cast %scan3A_429 : i32 to index
        %swap3A_450 = arith.constant 16 : index
        %swap3A_451 = tpu.vector_load %arg9[%swap3A_449, %swap3A_450] {strides = array<i32>} : memref<256x64xf32, #tpu.memory_space<vmem>>, vector<1x16xf32>,
        %swap3A_452 = vector.shape_cast %swap3A_451 : vector<1x16xf32> to vector<16xf32>
        %swap3A_453 = vector.shape_cast %mul3A_448 : vector<16xf32> to vector<1x16xf32>
        tpu.vector_store %arg9[%swap3A_449, %swap3A_450], %swap3A_453 {strides = array<i32>} : memref<256x64xf32, #tpu.memory_space<vmem>>, vector<1x16xf32>,
        %get3A_454 = arith.index_cast %scan3A_429 : i32 to index
        %get3A_455 = arith.constant 32 : index
        %get3A_456 = tpu.vector_load %arg9[%get3A_454, %get3A_455] {strides = array<i32>} : memref<256x64xf32, #tpu.memory_space<vmem>>, vector<1x16xf32>,
        %get3A_457 = vector.shape_cast %get3A_456 : vector<1x16xf32> to vector<16xf32>
        %mul3A_458 = arith.constant 8.000000e+00 : f32
        %mul3A_459 = vector.broadcast %mul3A_458 : f32 to vector<16xf32>
        %mul3A_460 = arith.mulf %get3A_457, %mul3A_459 : vector<16xf32>
        %swap3A_461 = arith.index_cast %scan3A_429 : i32 to index
        %swap3A_462 = arith.constant 32 : index
        %swap3A_463 = tpu.vector_load %arg9[%swap3A_461, %swap3A_462] {strides = array<i32>} : memref<256x64xf32, #tpu.memory_space<vmem>>, vector<1x16xf32>,
        %swap3A_464 = vector.shape_cast %swap3A_463 : vector<1x16xf32> to vector<16xf32>
        %swap3A_465 = vector.shape_cast %mul3A_460 : vector<16xf32> to vector<1x16xf32>
        tpu.vector_store %arg9[%swap3A_461, %swap3A_462], %swap3A_465 {strides = array<i32>} : memref<256x64xf32, #tpu.memory_space<vmem>>, vector<1x16xf32>,
        %get3A_466 = arith.index_cast %scan3A_429 : i32 to index
        %get3A_467 = arith.constant 48 : index
        %get3A_468 = tpu.vector_load %arg9[%get3A_466, %get3A_467] {strides = array<i32>} : memref<256x64xf32, #tpu.memory_space<vmem>>, vector<1x16xf32>,
        %get3A_469 = vector.shape_cast %get3A_468 : vector<1x16xf32> to vector<16xf32>
        %mul3A_470 = arith.constant 8.000000e+00 : f32
        %mul3A_471 = vector.broadcast %mul3A_470 : f32 to vector<16xf32>
        %mul3A_472 = arith.mulf %get3A_469, %mul3A_471 : vector<16xf32>
        %swap3A_473 = arith.index_cast %scan3A_429 : i32 to index
        %swap3A_474 = arith.constant 48 : index
        %swap3A_475 = tpu.vector_load %arg9[%swap3A_473, %swap3A_474] {strides = array<i32>} : memref<256x64xf32, #tpu.memory_space<vmem>>, vector<1x16xf32>,
        %swap3A_476 = vector.shape_cast %swap3A_475 : vector<1x16xf32> to vector<16xf32>
        %swap3A_477 = vector.shape_cast %mul3A_472 : vector<16xf32> to vector<1x16xf32>
        tpu.vector_store %arg9[%swap3A_473, %swap3A_474], %swap3A_477 {strides = array<i32>} : memref<256x64xf32, #tpu.memory_space<vmem>>, vector<1x16xf32>,
      }
      %scan3A_344 = arith.constant 256 : i32
      %mul3A_345 = arith.constant 256 : i32
      %mul3A_346 = arith.muli %add3A_325, %mul3A_345 : i32
      %add3A_347 = arith.addi %mul3A_2, %mul3A_346 : i32
      %jit3A_348 = arith.constant 4096 : i32
      %div3A_349 = arith.divsi %add3A_347, %jit3A_348 : i32
      %sign3A_350 = arith.constant 0 : i32
      %sign3A_351 = arith.cmpi sgt, %add3A_347, %sign3A_350 : i32
      %sign3A_352 = arith.extui %sign3A_351 : i1 to i32
      %sign3A_353 = arith.constant 0 : i32
      %sign3A_354 = arith.cmpi slt, %add3A_347, %sign3A_353 : i32
      %sign3A_355 = arith.extui %sign3A_354 : i1 to i32
      %sign3A_356 = arith.subi %sign3A_352, %sign3A_355 : i32
      %sign3A_357 = arith.constant 0 : i32
      %sign3A_358 = arith.cmpi sgt, %jit3A_348, %sign3A_357 : i32
      %sign3A_359 = arith.extui %sign3A_358 : i1 to i32
      %sign3A_360 = arith.constant 0 : i32
      %sign3A_361 = arith.cmpi slt, %jit3A_348, %sign3A_360 : i32
      %sign3A_362 = arith.extui %sign3A_361 : i1 to i32
      %sign3A_363 = arith.subi %sign3A_359, %sign3A_362 : i32
      %ne3A_364 = arith.cmpi ne, %sign3A_356, %sign3A_363 : i32
      %rem3A_365 = arith.remsi %add3A_347, %jit3A_348 : i32
      %ne3A_366 = arith.constant 0 : i32
      %ne3A_367 = arith.cmpi ne, %rem3A_365, %ne3A_366 : i32
      %and3A_368 = arith.andi %ne3A_364, %ne3A_367 : i1
      %sub3A_369 = arith.constant 1 : i32
      %sub3A_370 = arith.subi %div3A_349, %sub3A_369 : i32
      %select_n3A_371 = arith.select %and3A_368, %sub3A_370, %div3A_349 : i32
      %mul3A_372 = arith.constant 4096 : i32
      %mul3A_373 = arith.muli %select_n3A_371, %mul3A_372 : i32
      %sub3A_374 = arith.subi %add3A_347, %mul3A_373 : i32
      %dma_start3A_375 = arith.constant 0 : i32
      %dma_start3A_376 = tpu.memref_slice %arg4[%sub3A_374, %select_n3A_371, %dma_start3A_375] : memref<4096x200x64xf32, #tpu.memory_space<hbm>> -> memref<256x1x64xf32, #tpu.memory_space<hbm>>
      %dma_start3A_377 = tpu.memref_squeeze %dma_start3A_376 : memref<256x1x64xf32, #tpu.memory_space<hbm>> -> memref<256x64xf32, #tpu.memory_space<hbm>>
      %dma_start3A_378 = arith.constant 0 : i32
      %dma_start3A_379 = tpu.memref_slice %arg4[%sub3A_374, %select_n3A_371, %dma_start3A_378] : memref<4096x200x64xf32, #tpu.memory_space<hbm>> -> memref<256x1x64xf32, #tpu.memory_space<hbm>>
      %dma_start3A_380 = tpu.memref_squeeze %dma_start3A_379 : memref<256x1x64xf32, #tpu.memory_space<hbm>> -> memref<256x64xf32, #tpu.memory_space<hbm>>
      tpu.enqueue_dma source(%arg9 : memref<256x64xf32, #tpu.memory_space<vmem>>) target(%dma_start3A_380 : memref<256x64xf32, #tpu.memory_space<hbm>>) target_semaphore(%arg17 : memref<!tpu.dma_semaphore, #tpu.memory_space<semaphore_mem>>)
    }
    %scan3A_18 = arith.constant 25 : i32
    %add3A_19 = arith.constant 24576 : i32
    %add3A_20 = arith.addi %mul3A_2, %add3A_19 : i32
    %jit3A = arith.constant 4096 : i32
    %div3A = arith.divsi %add3A_20, %jit3A : i32
    %sign3A = arith.constant 0 : i32
    %sign3A_21 = arith.cmpi sgt, %add3A_20, %sign3A : i32
    %sign3A_22 = arith.extui %sign3A_21 : i1 to i32
    %sign3A_23 = arith.constant 0 : i32
    %sign3A_24 = arith.cmpi slt, %add3A_20, %sign3A_23 : i32
    %sign3A_25 = arith.extui %sign3A_24 : i1 to i32
    %sign3A_26 = arith.subi %sign3A_22, %sign3A_25 : i32
    %sign3A_27 = arith.constant 0 : i32
    %sign3A_28 = arith.cmpi sgt, %jit3A, %sign3A_27 : i32
    %sign3A_29 = arith.extui %sign3A_28 : i1 to i32
    %sign3A_30 = arith.constant 0 : i32
    %sign3A_31 = arith.cmpi slt, %jit3A, %sign3A_30 : i32
    %sign3A_32 = arith.extui %sign3A_31 : i1 to i32
    %sign3A_33 = arith.subi %sign3A_29, %sign3A_32 : i32
    %ne3A = arith.cmpi ne, %sign3A_26, %sign3A_33 : i32
    %rem3A = arith.remsi %add3A_20, %jit3A : i32
    %ne3A_34 = arith.constant 0 : i32
    %ne3A_35 = arith.cmpi ne, %rem3A, %ne3A_34 : i32
    %and3A = arith.andi %ne3A, %ne3A_35 : i1
    %sub3A = arith.constant 1 : i32
    %sub3A_36 = arith.subi %div3A, %sub3A : i32
    %select_n3A = arith.select %and3A, %sub3A_36, %div3A : i32
    %mul3A_37 = arith.constant 4096 : i32
    %mul3A_38 = arith.muli %select_n3A, %mul3A_37 : i32
    %sub3A_39 = arith.subi %add3A_20, %mul3A_38 : i32
    %dma_wait3A_40 = arith.constant 0 : i32
    %dma_wait3A_41 = tpu.memref_slice %arg4[%sub3A_39, %select_n3A, %dma_wait3A_40] : memref<4096x200x64xf32, #tpu.memory_space<hbm>> -> memref<256x1x64xf32, #tpu.memory_space<hbm>>
    %dma_wait3A_42 = tpu.memref_squeeze %dma_wait3A_41 : memref<256x1x64xf32, #tpu.memory_space<hbm>> -> memref<256x64xf32, #tpu.memory_space<hbm>>
    %dma_wait3A_43 = arith.constant 0 : i32
    %dma_wait3A_44 = tpu.memref_slice %arg4[%sub3A_39, %select_n3A, %dma_wait3A_43] : memref<4096x200x64xf32, #tpu.memory_space<hbm>> -> memref<256x1x64xf32, #tpu.memory_space<hbm>>
    %dma_wait3A_45 = tpu.memref_squeeze %dma_wait3A_44 : memref<256x1x64xf32, #tpu.memory_space<hbm>> -> memref<256x64xf32, #tpu.memory_space<hbm>>
    tpu.wait_dma2 semaphore(%arg14 : memref<!tpu.dma_semaphore, #tpu.memory_space<semaphore_mem>>) src(%arg6 : memref<256x64xf32, #tpu.memory_space<vmem>>) dst(%dma_wait3A_45 : memref<256x64xf32, #tpu.memory_space<hbm>>)
    %add3A_46 = arith.constant 24832 : i32
    %add3A_47 = arith.addi %mul3A_2, %add3A_46 : i32
    %jit3A_48 = arith.constant 4096 : i32
    %div3A_49 = arith.divsi %add3A_47, %jit3A_48 : i32
    %sign3A_50 = arith.constant 0 : i32
    %sign3A_51 = arith.cmpi sgt, %add3A_47, %sign3A_50 : i32
    %sign3A_52 = arith.extui %sign3A_51 : i1 to i32
    %sign3A_53 = arith.constant 0 : i32
    %sign3A_54 = arith.cmpi slt, %add3A_47, %sign3A_53 : i32
    %sign3A_55 = arith.extui %sign3A_54 : i1 to i32
    %sign3A_56 = arith.subi %sign3A_52, %sign3A_55 : i32
    %sign3A_57 = arith.constant 0 : i32
    %sign3A_58 = arith.cmpi sgt, %jit3A_48, %sign3A_57 : i32
    %sign3A_59 = arith.extui %sign3A_58 : i1 to i32
    %sign3A_60 = arith.constant 0 : i32
    %sign3A_61 = arith.cmpi slt, %jit3A_48, %sign3A_60 : i32
    %sign3A_62 = arith.extui %sign3A_61 : i1 to i32
    %sign3A_63 = arith.subi %sign3A_59, %sign3A_62 : i32
    %ne3A_64 = arith.cmpi ne, %sign3A_56, %sign3A_63 : i32
    %rem3A_65 = arith.remsi %add3A_47, %jit3A_48 : i32
    %ne3A_66 = arith.constant 0 : i32
    %ne3A_67 = arith.cmpi ne, %rem3A_65, %ne3A_66 : i32
    %and3A_68 = arith.andi %ne3A_64, %ne3A_67 : i1
    %sub3A_69 = arith.constant 1 : i32
    %sub3A_70 = arith.subi %div3A_49, %sub3A_69 : i32
    %select_n3A_71 = arith.select %and3A_68, %sub3A_70, %div3A_49 : i32
    %mul3A_72 = arith.constant 4096 : i32
    %mul3A_73 = arith.muli %select_n3A_71, %mul3A_72 : i32
    %sub3A_74 = arith.subi %add3A_47, %mul3A_73 : i32
    %dma_wait3A_75 = arith.constant 0 : i32
    %dma_wait3A_76 = tpu.memref_slice %arg4[%sub3A_74, %select_n3A_71, %dma_wait3A_75] : memref<4096x200x64xf32, #tpu.memory_space<hbm>> -> memref<256x1x64xf32, #tpu.memory_space<hbm>>
    %dma_wait3A_77 = tpu.memref_squeeze %dma_wait3A_76 : memref<256x1x64xf32, #tpu.memory_space<hbm>> -> memref<256x64xf32, #tpu.memory_space<hbm>>
    %dma_wait3A_78 = arith.constant 0 : i32
    %dma_wait3A_79 = tpu.memref_slice %arg4[%sub3A_74, %select_n3A_71, %dma_wait3A_78] : memref<4096x200x64xf32, #tpu.memory_space<hbm>> -> memref<256x1x64xf32, #tpu.memory_space<hbm>>
    %dma_wait3A_80 = tpu.memref_squeeze %dma_wait3A_79 : memref<256x1x64xf32, #tpu.memory_space<hbm>> -> memref<256x64xf32, #tpu.memory_space<hbm>>
    tpu.wait_dma2 semaphore(%arg15 : memref<!tpu.dma_semaphore, #tpu.memory_space<semaphore_mem>>) src(%arg7 : memref<256x64xf32, #tpu.memory_space<vmem>>) dst(%dma_wait3A_80 : memref<256x64xf32, #tpu.memory_space<hbm>>)
    %add3A_81 = arith.constant 25088 : i32
    %add3A_82 = arith.addi %mul3A_2, %add3A_81 : i32
    %jit3A_83 = arith.constant 4096 : i32
    %div3A_84 = arith.divsi %add3A_82, %jit3A_83 : i32
    %sign3A_85 = arith.constant 0 : i32
    %sign3A_86 = arith.cmpi sgt, %add3A_82, %sign3A_85 : i32
    %sign3A_87 = arith.extui %sign3A_86 : i1 to i32
    %sign3A_88 = arith.constant 0 : i32
    %sign3A_89 = arith.cmpi slt, %add3A_82, %sign3A_88 : i32
    %sign3A_90 = arith.extui %sign3A_89 : i1 to i32
    %sign3A_91 = arith.subi %sign3A_87, %sign3A_90 : i32
    %sign3A_92 = arith.constant 0 : i32
    %sign3A_93 = arith.cmpi sgt, %jit3A_83, %sign3A_92 : i32
    %sign3A_94 = arith.extui %sign3A_93 : i1 to i32
    %sign3A_95 = arith.constant 0 : i32
    %sign3A_96 = arith.cmpi slt, %jit3A_83, %sign3A_95 : i32
    %sign3A_97 = arith.extui %sign3A_96 : i1 to i32
    %sign3A_98 = arith.subi %sign3A_94, %sign3A_97 : i32
    %ne3A_99 = arith.cmpi ne, %sign3A_91, %sign3A_98 : i32
    %rem3A_100 = arith.remsi %add3A_82, %jit3A_83 : i32
    %ne3A_101 = arith.constant 0 : i32
    %ne3A_102 = arith.cmpi ne, %rem3A_100, %ne3A_101 : i32
    %and3A_103 = arith.andi %ne3A_99, %ne3A_102 : i1
    %sub3A_104 = arith.constant 1 : i32
    %sub3A_105 = arith.subi %div3A_84, %sub3A_104 : i32
    %select_n3A_106 = arith.select %and3A_103, %sub3A_105, %div3A_84 : i32
    %mul3A_107 = arith.constant 4096 : i32
    %mul3A_108 = arith.muli %select_n3A_106, %mul3A_107 : i32
    %sub3A_109 = arith.subi %add3A_82, %mul3A_108 : i32
    %dma_wait3A_110 = arith.constant 0 : i32
    %dma_wait3A_111 = tpu.memref_slice %arg4[%sub3A_109, %select_n3A_106, %dma_wait3A_110] : memref<4096x200x64xf32, #tpu.memory_space<hbm>> -> memref<256x1x64xf32, #tpu.memory_space<hbm>>
    %dma_wait3A_112 = tpu.memref_squeeze %dma_wait3A_111 : memref<256x1x64xf32, #tpu.memory_space<hbm>> -> memref<256x64xf32, #tpu.memory_space<hbm>>
    %dma_wait3A_113 = arith.constant 0 : i32
    %dma_wait3A_114 = tpu.memref_slice %arg4[%sub3A_109, %select_n3A_106, %dma_wait3A_113] : memref<4096x200x64xf32, #tpu.memory_space<hbm>> -> memref<256x1x64xf32, #tpu.memory_space<hbm>>
    %dma_wait3A_115 = tpu.memref_squeeze %dma_wait3A_114 : memref<256x1x64xf32, #tpu.memory_space<hbm>> -> memref<256x64xf32, #tpu.memory_space<hbm>>
    tpu.wait_dma2 semaphore(%arg16 : memref<!tpu.dma_semaphore, #tpu.memory_space<semaphore_mem>>) src(%arg8 : memref<256x64xf32, #tpu.memory_space<vmem>>) dst(%dma_wait3A_115 : memref<256x64xf32, #tpu.memory_space<hbm>>)
    %add3A_116 = arith.constant 25344 : i32
    %add3A_117 = arith.addi %mul3A_2, %add3A_116 : i32
    %jit3A_118 = arith.constant 4096 : i32
    %div3A_119 = arith.divsi %add3A_117, %jit3A_118 : i32
    %sign3A_120 = arith.constant 0 : i32
    %sign3A_121 = arith.cmpi sgt, %add3A_117, %sign3A_120 : i32
    %sign3A_122 = arith.extui %sign3A_121 : i1 to i32
    %sign3A_123 = arith.constant 0 : i32
    %sign3A_124 = arith.cmpi slt, %add3A_117, %sign3A_123 : i32
    %sign3A_125 = arith.extui %sign3A_124 : i1 to i32
    %sign3A_126 = arith.subi %sign3A_122, %sign3A_125 : i32
    %sign3A_127 = arith.constant 0 : i32
    %sign3A_128 = arith.cmpi sgt, %jit3A_118, %sign3A_127 : i32
    %sign3A_129 = arith.extui %sign3A_128 : i1 to i32
    %sign3A_130 = arith.constant 0 : i32
    %sign3A_131 = arith.cmpi slt, %jit3A_118, %sign3A_130 : i32
    %sign3A_132 = arith.extui %sign3A_131 : i1 to i32
    %sign3A_133 = arith.subi %sign3A_129, %sign3A_132 : i32
    %ne3A_134 = arith.cmpi ne, %sign3A_126, %sign3A_133 : i32
    %rem3A_135 = arith.remsi %add3A_117, %jit3A_118 : i32
    %ne3A_136 = arith.constant 0 : i32
    %ne3A_137 = arith.cmpi ne, %rem3A_135, %ne3A_136 : i32
    %and3A_138 = arith.andi %ne3A_134, %ne3A_137 : i1
    %sub3A_139 = arith.constant 1 : i32
    %sub3A_140 = arith.subi %div3A_119, %sub3A_139 : i32
    %select_n3A_141 = arith.select %and3A_138, %sub3A_140, %div3A_119 : i32
    %mul3A_142 = arith.constant 4096 : i32
    %mul3A_143 = arith.muli %select_n3A_141, %mul3A_142 : i32
    %sub3A_144 = arith.subi %add3A_117, %mul3A_143 : i32
    %dma_wait3A_145 = arith.constant 0 : i32
    %dma_wait3A_146 = tpu.memref_slice %arg4[%sub3A_144, %select_n3A_141, %dma_wait3A_145] : memref<4096x200x64xf32, #tpu.memory_space<hbm>> -> memref<256x1x64xf32, #tpu.memory_space<hbm>>
    %dma_wait3A_147 = tpu.memref_squeeze %dma_wait3A_146 : memref<256x1x64xf32, #tpu.memory_space<hbm>> -> memref<256x64xf32, #tpu.memory_space<hbm>>
    %dma_wait3A_148 = arith.constant 0 : i32
    %dma_wait3A_149 = tpu.memref_slice %arg4[%sub3A_144, %select_n3A_141, %dma_wait3A_148] : memref<4096x200x64xf32, #tpu.memory_space<hbm>> -> memref<256x1x64xf32, #tpu.memory_space<hbm>>
    %dma_wait3A_150 = tpu.memref_squeeze %dma_wait3A_149 : memref<256x1x64xf32, #tpu.memory_space<hbm>> -> memref<256x64xf32, #tpu.memory_space<hbm>>
    tpu.wait_dma2 semaphore(%arg17 : memref<!tpu.dma_semaphore, #tpu.memory_space<semaphore_mem>>) src(%arg9 : memref<256x64xf32, #tpu.memory_space<vmem>>) dst(%dma_wait3A_150 : memref<256x64xf32, #tpu.memory_space<hbm>>)
    return
  }
}

</mosaic_0001>

<sc_bundles>
// kernel: kernel.3.cloned.1.call-start
scs
__scs_entry_jumppad:
0x0: {  	(pc) =	sbr.rel $0x88, $3  }
0x1: {  	(tag) =	ssettag $0x0;
	lr =	simm.s32 $0x1  }
0x2: {  	[smem:$0x3F9F] =	sst lr;
	_ =	strace $0xD0000000  }
0x3: {  	_ = 	snop  }
0x4: {  	_ = 	snop  }
0x5: {  	_ = 	snop  }
0x6: {  	_ = 	snop  }
0x7: {  	_ = 	snop  }
__scs_overlays_trampoline_lowered:
0x8: {  	[smem:$0x3FAE] =	sst s0  }
0x9: {  	[smem:$0x3FAF] =	sst s1  }
0xa: {  	[smem:$0x3FB0] =	sst s2  }
0xb: {  	[smem:$0x3FB1] =	sst s3  }
0xc: {  	[smem:$0x3FB2] =	sst s4  }
0xd: {  	[smem:$0x3FB3] =	sst s5  }
0xe: {  	[smem:$0x3FB4] =	sst s6  }
0xf: {  	[smem:$0x3FB5] =	sst s7  }
0x10: {  	[smem:$0x3FB6] =	sst s8  }
0x11: {  	[smem:$0x3FB7] =	sst s9;
	s0 =	simm.s32 @!p0 $0x0  }
0x12: {  	s1 =	sld [smem:$0x3F9D];
	s0 =	simm.s32 @p0 $0x1  }
0x13: {  	[smem:$0x3FB8] =	sst s0;
	s0 =	simm.s32 @!p1 $0x0  }
0x14: {  	s2 =	sld [smem:$0x3F9C];
	s0 =	simm.s32 @p1 $0x1  }
0x15: {  	[smem:$0x3FB9] =	sst s0;
	s0 =	simm.s32 @!p2 $0x0  }
0x16: {  	s3 =	sld [smem:$0x3FDB];
	s0 =	simm.s32 @p2 $0x1  }
0x17: {  	s4 =	simm.s32 $0x1BF5;
	[smem:$0x3FBB] =	sst s0  }
0x18: {  	s0 =	sld [smem:$0x3F9E];
	_ =	swait.ge [sflag:s4], $0x0  }
0x19: {  	s7 =	sld [smem:$0x3F9F]  }
0x1a: {  	s8 =	sadd.s32 $0xFFFFE003, lr  }
0x1b: {  	s9 =	sadd.s32 $0xFFFFFEF7, lr;
	s5 =	simm.s32 $0xFFFFFFFF;
	p2 =	slt.u32 s8, $0xFFFFF086  }
0x1c: {  	p1 =	slt.u32 s9, $0xF7A;
	s5 =	simm.s32 @!p2 $0x0  }
0x1d: {  	s5 =	simm.s32 @p1 $0x1;
	p0 =	seq.s32 s7, s2  }
0x1e: {  	s7 =	smul.u32 @!p0 $0xF7A, s2;
	p2 =	seq.s32 @!p0 s5, $0x0  }
0x1f: {  	s9 =	smul.u32 $0xF7A, s1;
	s8 =	simm.s32 @!p0 $0x1BF5;
	p2 =	por !p2, p0  }
0x20: {  	[sflag:s8] =	ssyncset.s32 @!p0 $0xFFFFF086;
	s6 =	sadd.s32 @!p0 s3, s7;
	s7 =	simm.s32 @!p0 $0x108  }
0x21: {  	s3 =	sadd.s32 s3, s9;
	s6 =	sadd.s32 @!p0 $0x88, s6;
	s7 =	simm.s32 @p2 $0x1082  }
0x22: {  	[simem:s7], [sflag:s8] =	dma.local @!p0 [hbm:s6], $0xF7A  }
0x23: {  	s9 =	sor.u32 $0xD0000000, s2;
	s6 =	simm.s32 $0x108;
	_ =	swait.ge @!p0 [sflag:s8], $0x0  }
0x24: {  	s3 =	sadd.s32 $0x88, s3;
	s6 =	simm.s32 @!p1 $0x1082;
	[sflag:s4] =	ssyncset.s32 $0xFFFFF086  }
0x25: {  	[simem:s6], [sflag:s4] =	dma.local [hbm:s3], $0xF7A  }
0x26: {  	[smem:$0x3F9F] =	sst s1;
	(tag) =	ssettag s2;
	_ =	strace s9  }
0x27: {  	s1 =	sld [smem:$0x3FAF]  }
0x28: {  	s2 =	sld [smem:$0x3FB0]  }
0x29: {  	s4 =	sld [smem:$0x3FB2]  }
0x2a: {  	p0 =	seq.s32 s5, $0x0;
	s5 =	sld [smem:$0x3FB3]  }
0x2b: {  	s6 =	sld [smem:$0x3FB4]  }
0x2c: {  	s7 =	sld [smem:$0x3FB5]  }
0x2d: {  	s3 =	simm.s32 $0x108;
	s8 =	sld [smem:$0x3FB6]  }
0x2e: {  	s3 =	simm.s32 @!p0 $0x1082;
	s9 =	sld [smem:$0x3FB7]  }
0x2f: {  	lr =	sadd.s32 s0, s3;
	s0 =	sld [smem:$0x3FAE]  }
0x30: {  	s3 =	sld [smem:$0x3FB1]  }
0x31: {  	[smem:$0x3FBA] =	sst s10  }
0x32: {  	s10 =	sld [smem:$0x3FB8];
	_ =	sdelay $0x3  }
0x33: {  	p0 =	seq.s32 s10, $0x1;
	s10 =	sld [smem:$0x3FBA];
	_ =	sdelay $0x3  }
0x34: {  	[smem:$0x3FBA] =	sst s10  }
0x35: {  	s10 =	sld [smem:$0x3FB9];
	_ =	sdelay $0x3  }
0x36: {  	p1 =	seq.s32 s10, $0x1;
	s10 =	sld [smem:$0x3FBA];
	_ =	sdelay $0x3  }
0x37: {  	[smem:$0x3FBA] =	sst s10  }
0x38: {  	s10 =	sld [smem:$0x3FBB]  }
0x39: {  	_ = 	snop;
	(pc) =	sbr.ind lr, $3  }
0x3a: {  	_ = 	snop  }
0x3b: {  	_ = 	snop  }
0x3c: {  	p2 =	seq.s32 s10, $0x1;
	s10 =	sld [smem:$0x3FBA]  }
0x3d: {  	_ =	shalt  }
0x3e: {  	_ =	shalt  }
0x3f: {  	_ =	shalt  }
0x40: {  	_ =	shalt  }
0x41: {  	_ =	shalt  }
0x42: {  	_ =	shalt  }
0x43: {  	_ =	shalt  }
0x44: {  	_ =	shalt  }
0x45: {  	_ =	shalt  }
0x46: {  	_ =	shalt  }
0x47: {  	_ =	shalt  }
0x48: {  	_ =	shalt  }
0x49: {  	_ =	shalt  }
0x4a: {  	_ =	shalt  }
0x4b: {  	_ =	shalt  }
0x4c: {  	_ =	shalt  }
0x4d: {  	_ =	shalt  }
0x4e: {  	_ =	shalt  }
0x4f: {  	_ =	shalt  }
0x50: {  	_ =	shalt  }
0x51: {  	_ =	shalt  }
0x52: {  	_ =	shalt  }
0x53: {  	_ =	shalt  }
0x54: {  	_ =	shalt  }
0x55: {  	_ =	shalt  }
0x56: {  	_ =	shalt  }
0x57: {  	_ =	shalt  }
0x58: {  	_ =	shalt  }
0x59: {  	_ =	shalt  }
0x5a: {  	_ =	shalt  }
0x5b: {  	_ =	shalt  }
0x5c: {  	_ =	shalt  }
0x5d: {  	_ =	shalt  }
0x5e: {  	_ =	shalt  }
0x5f: {  	_ =	shalt  }
0x60: {  	_ =	shalt  }
0x61: {  	_ =	shalt  }
0x62: {  	_ =	shalt  }
0x63: {  	_ =	shalt  }
0x64: {  	_ =	shalt  }
0x65: {  	_ =	shalt  }
0x66: {  	_ =	shalt  }
0x67: {  	_ =	shalt  }
0x68: {  	_ =	shalt  }
0x69: {  	_ =	shalt  }
0x6a: {  	_ =	shalt  }
0x6b: {  	_ =	shalt  }
0x6c: {  	_ =	shalt  }
0x6d: {  	_ =	shalt  }
0x6e: {  	_ =	shalt  }
0x6f: {  	_ =	shalt  }
0x70: {  	_ =	shalt  }
0x71: {  	_ =	shalt  }
0x72: {  	_ =	shalt  }
0x73: {  	_ =	shalt  }
0x74: {  	_ =	shalt  }
0x75: {  	_ =	shalt  }
0x76: {  	_ =	shalt  }
0x77: {  	_ =	shalt  }
0x78: {  	_ =	shalt  }
0x79: {  	_ =	shalt  }
0x7a: {  	_ =	shalt  }
0x7b: {  	_ =	shalt  }
0x7c: {  	_ =	shalt  }
0x7d: {  	_ =	shalt  }
0x7e: {  	_ =	shalt  }
0x7f: {  	_ =	shalt  }
0x80: {  	_ =	shalt  }
0x81: {  	_ =	shalt  }
0x82: {  	_ =	shalt  }
0x83: {  	_ =	shalt  }
0x84: {  	_ =	shalt  }
0x85: {  	_ =	shalt  }
0x86: {  	_ =	shalt  }
0x87: {  	_ =	shalt  }
.Lfunc_end0:
.L_simem_size_0:
called_computation.1_lowered:
.L_overlay_start_0:
0x88: {  	s2 =	sld [smem:$0x3FD9]  }
0x89: {  	s3 =	sld [smem:$0x3FFE];
	_ =	sdelay $0x1  }
0x8a: {  	s1 =	srdreg.scid  }
0x8b: {  	s0 =	sand.u32 $0x1, s1  }
0x8c: {  	s17 =	sshll.u32 s0, $0xA;
	s2 =	sadd.s32 s3, s2  }
0x8d: {  	s2 =	sadd.s32 s2, s17  }
0x8e: {  	[smem:$0x3FC6] =	sst s2  }
0x8f: {  	_ = 	snop  }
0x90: {  	s2 =	sld [smem:$0x3FD0];
	(tm) =	ssettm $0x1  }
0x91: {  	s18 =	sld [smem:$0x3FFB];
	_ =	sdelay $0x3  }
0x92: {  	_ =	strace s18  }
0x93: {  	s3 =	sld [smem:$0x3FFC];
	_ =	sdelay $0x3  }
0x94: {  	_ =	strace s3  }
0x95: {  	s3 =	sld [smem:$0x3FFD];
	_ =	sdelay $0x3  }
0x96: {  	_ =	strace s3  }
0x97: {  	_ =	strace $0x8FFFFFFF  }
0x98: {  	s19 =	sld [smem:$0x3FDB];
	_ =	sdelay $0x1  }
0x99: {  	s4 =	simm.s32 $_scs_section_size  }
0x9a: {  	s5 =	simm.s32 $_size__tile_overlayer_lowered;
	s6 =	simm.s32 $_tile_overlayer_lowered  }
0x9b: {  	s22 =	simm.s32 $0x1BFF;
	s21 =	sshll.u32 s6, $0x1;
	s3 =	sadd.s32 s4, s19  }
0x9c: {  	s7 =	simm.s32 $0x0;
	s20 =	sshll.u32 s5, $0x1;
	s5 =	sadd.s32 s21, s3  }
0x9d: {  	[timem:s7], [sflag:s22] =	dma.local [hbm:s5], s20  }
0x9e: {  	_ =	swait.ge [sflag:s22], s20  }
0x9f: {  	s4 =	ssub.s32 $0x0, s20;
	[sflag:s22] =	ssyncset.done $0x0  }
0xa0: {  	[sflag:s22] =	ssyncadd.s32 s4;
	_ =	sdelay $0x1  }
0xa1: {  	s23 =	simm.s32 $0x1B8B  }
0xa2: {  	_ =	swait.ge [sflag:s23], $0x1  }
0xa3: {  	[sflag:s23] =	ssyncset.done $0x0  }
0xa4: {  	s25 =	simm.s32 $0x1B8E;
	s24 =	sld [smem:$0x3FFE];
	[sflag:s23] =	ssyncadd.s32 $0xFFFFFFFF  }
0xa5: {  	s26 =	simm.s32 $execute0_lowered;
	[smem:$0x3FD2] =	sst s25  }
0xa6: {  	s5 =	sshll.u32 s26, $0x1;
	_ =	strace $0x80000046;
	[dreg:$0x1] =	wrdreg $0xFFFFFFFF  }
0xa7: {  	s28 =	simm.s32 $_size_execute0_lowered;
	s3 =	sadd.s32 s3, s5;
	[dreg:$0x0] =	wrdreg $0x0  }
0xa8: {  	s5 =	sshll.u32 s28, $0x1;
	[dreg:$0x2] =	wrdreg s3  }
0xa9: {  	[dreg:$0x3] =	wrdreg s5  }
0xaa: {  	[dreg:$0x4] =	wrdreg $0xC0  }
0xab: {  	_ =	task [dreg:s7], $0x5FFFF  }
0xac: {  	[dreg:$0x1] =	wrdreg $0xFFFFFFFF  }
0xad: {  	[dreg:$0x0] =	wrdreg $0x60  }
0xae: {  	[dreg:$0x2] =	wrdreg s24  }
0xaf: {  	[dreg:$0x3] =	wrdreg s2  }
0xb0: {  	[dreg:$0x4] =	wrdreg $0x9  }
0xb1: {  	_ =	task.clear_ibuf [dreg:s7], $0x5FFFF;
	_ =	strace $0x90000046  }
0xb2: {  	s29 =	simm.s32 $0x9;
	_ =	strace $0x80000048  }
0xb3: {  	_ =	swait.ge [sflag:s29], $0x1  }
0xb4: {  	[sflag:s29] =	ssyncadd.s32 $0xFFFFFFFF  }
0xb5: {  	_ =	strace $0x90000048  }
0xb6: {  	_ =	sfence  }
0xb7: {  	s30 =	sld [smem:$0x0];
	_ =	sdelay $0x2  }
0xb8: {  	s31 =	sshll.u32 s1, $0xD;
	s1 =	sshrl.u32 s1, $0x2  }
0xb9: {  	s3 =	sand.u32 $0x4000, s31;
	s1 =	sadd.s32 s1, s30  }
0xba: {  	s0 =	sor.u32 s3, s0;
	s1 =	sshll.u32 s1, $0x11  }
0xbb: {  	s0 =	sor.u32 s1, s0  }
0xbc: {  	s0 =	sadd.s32 $0x8F2B, s0  }
0xbd: {  	[sflag:s0] =	ssyncadd.remote.s32 $0x1  }
0xbe: {  	_ =	sfence.sel $0xFFFF  }
0xbf: {  	[dreg:$0x0] =	wrdreg $0xFFFFFFFF;
	(pc) =	sbr.abs _section_cstart, $3  }
0xc0: {  	[dreg:$0x1] =	wrdreg $0xFFFFFFFF  }
0xc1: {  	_ =	task.clear_ibuf [dreg:s7], $0x2FFFF;
	_ =	strace $0x9FFFFFFF  }
0xc2: {  	(tm) =	ssettm $0x7FFFFFFF  }
0xc3: {  	_ =	shalt  }
tec
execute0_lowered:
.L_overlay_start_1:
0x0: {  	(tag) =	ssettag $0x1  }
0x1: {  	s1 =	srdreg.scid  }
0x2: {  	s0 =	stileid.u32;
	s5 =	rddreg [dreg:$0x0]  }
0x3: {  	s4 =	simm.s32 $0x0;
	s8 =	simm.s32 $0x9;
	s9 =	simm.s32 $0x100  }
0x4: {  	s10 =	simm.s32 $0x6400;
	s11 =	simm.s32 $0xA400;
	s12 =	simm.s32 $0xE400  }
0x5: {  	s13 =	simm.s32 $0x1;
	s14 =	simm.s32 $0x40;
	s15 =	simm.s32 $0x3200  }
0x6: {  	s16 =	simm.s32 $0x12400;
	s17 =	simm.s32 $0x2;
	s18 =	simm.s32 $0x3  }
0x7: {  	s19 =	simm.s32 $0x4;
	s1 =	sand.u32 $0x1, s1;
	s2 =	sshll.u32 s0, $0x1  }
0x8: {  	s20 =	simm.s32 $0x5;
	s21 =	simm.s32 $0x6;
	s3 =	sor.u32 s1, s2  }
0x9: {  	s22 =	simm.s32 $0x7;
	s23 =	simm.s32 $0x8;
	s3 =	smul.u32 $0x6400, s3  }
0xa: {  	s24 =	simm.s32 $0x0;
	[smem:$0x7FF] =	sst s4;
	s1 =	ssub.s32 $0x2, s1  }
0xb: {  	s2 =	rddreg [dreg:$0x1];
	s7 =	sshrl.u32 s1, $0x1;
	s6 =	sshrl.u32 s3, $0x3  }
0xc: {  	_ =	strace $0x80000047;
	s1 =	ssub.s32 s1, s7;
	s6 =	sadd.s32 s6, s5  }
0xd: {  	s7 =	smax.u32 s1, $0x1;
	s5 =	sadd.s32 $0xF42E00, s5;
	s6 =	sadd.s32 $0xA00, s6  }
.LBB2_1:
0xe: {  	[tilespmem:s4], [sflag:$0x9] =	stream.linear.gather [hbm4b:s6+s4], $0x6400, $0x38;
	[tilespmem:$0x16400] =	vst v63  }
0xf: {  	_ =	swait.ge [sflag:s8], $0x6400  }
0x10: {  	[sflag:s8] =	ssyncset.done $0x0  }
0x11: {  	[sflag:s8] =	ssyncadd.s32 $0xFFFF9C00  }
0x12: {  	[tilespmem:s10], [sflag:$0x1] =	stream.indirect.gather [hbm4b:s5+s9], $0x40, s4, s9, $0xb8;
	[tilespmem:$0x16400] =	vst v63  }
0x13: {  	s25 =	simm.s32 $0x0  }
0x14: {  	[tilespmem:s11], [sflag:$0x2] =	stream.indirect.gather [hbm4b:s5+s9], $0x40, s9, s9, $0xb8;
	[tilespmem:$0x16400] =	vst v63  }
.LBB2_2:
0x15: {  	p0 =	seq.s32 s25, $0x0  }
0x16: {  	s28 =	sshll.u32 s25, $0x2;
	s1 =	simm.s32 @!p0 $0x7  }
0x17: {  	s26 =	sor.u32 $0x2, s28;
	_ =	swait.ge @!p0 [sflag:s1], $0x4000  }
0x18: {  	s26 =	sshll.u32 s26, $0x8;
	[sflag:s1] =	ssyncset.done @!p0 $0x0  }
0x19: {  	[sflag:s1] =	ssyncadd.s32 @!p0 $0xFFFFC000;
	s1 =	sand.u32 $0x3FFFFF00, s26  }
0x1a: {  	[tilespmem:s12], [sflag:$0x3] =	stream.indirect.gather [hbm4b:s5+s9], $0x40, s1, s9, $0xb8;
	[tilespmem:$0x16400] =	vst v63  }
0x1b: {  	_ =	swait.ge [sflag:s13], $0x4000  }
0x1c: {  	[sflag:s13] =	ssyncset.done $0x0  }
0x1d: {  	s30 =	simm.s32 $0x6440;
	[sflag:s13] =	ssyncadd.s32 $0xFFFFC000  }
0x1e: {  	v0 =	vld [tilespmem:s30+$0xFFFFFFC0];
	_ =	sdelay $0x1  }
0x1f: {  	v4 =	vld [tilespmem:s30+$0xFFFFFFD0]  }
0x20: {  	v6 =	vld [tilespmem:s30+$0xFFFFFFE0]  }
0x21: {  	v3 =	vld [tilespmem:s30+$0x0]  }
0x22: {  	v1 =	vld [tilespmem:s30+$0x10];
	v5 =	vmul.f32 $8.000000000e+00, v0  }
0x23: {  	v2 =	vld [tilespmem:s30+$0x20]  }
0x24: {  	v0 =	vld [tilespmem:s30+$0x30];
	[tilespmem:s30+$0xFFFFFFC0] =	vst v5;
	v5 =	vmul.f32 $8.000000000e+00, v4  }
0x25: {  	s29 =	simm.s32 $0x0;
	s31 =	simm.s32 $0x64C0;
	v6 =	vmul.f32 $8.000000000e+00, v6;
	v4 =	vld [tilespmem:s30+$0xFFFFFFF0]  }
.LBB2_3:
0x26: {  	v7 =	vld [tilespmem:s31+$0xFFFFFFC0];
	[tilespmem:s30+$0xFFFFFFD0] =	vst v5;
	v3 =	vmul.f32 $8.000000000e+00, v3  }
0x27: {  	s29 =	sadd.s32 $0x2, s29;
	v5 =	vld [tilespmem:s31+$0xFFFFFFD0];
	[tilespmem:s30+$0xFFFFFFE0] =	vst v6;
	v1 =	vmul.f32 $8.000000000e+00, v1  }
0x28: {  	p1 =	slt.u32 s29, $0xFE;
	v6 =	vld [tilespmem:s31+$0xFFFFFFE0];
	[tilespmem:s30+$0x0] =	vst v3;
	v2 =	vmul.f32 $8.000000000e+00, v2  }
.Ltmp0:
0x29: {  	v3 =	vld [tilespmem:s31+$0x0];
	[tilespmem:s30+$0x10] =	vst v1;
	v0 =	vmul.f32 $8.000000000e+00, v0;
	(pc) =	sbr.rel @p1 .LBB2_3-.Ltmp0, $4  }
0x2a: {  	v1 =	vld [tilespmem:s31+$0x10];
	v4 =	vmul.f32 $8.000000000e+00, v4;
	[tilespmem:s30+$0x20] =	vst v2  }
0x2b: {  	v7 =	vmul.f32 $8.000000000e+00, v7;
	v2 =	vld [tilespmem:s31+$0x20];
	[tilespmem:s30+$0x30] =	vst v0  }
0x2c: {  	v5 =	vmul.f32 $8.000000000e+00, v5;
	v0 =	vld [tilespmem:s31+$0x30];
	[tilespmem:s30+$0xFFFFFFF0] =	vst v4;
	s30 =	smov.u32 s31  }
0x2d: {  	s31 =	sadd.s32 $0x80, s31;
	[tilespmem:s30+$0xFFFFFFC0] =	vst v7;
	v6 =	vmul.f32 $8.000000000e+00, v6;
	v4 =	vld [tilespmem:s30+$0xFFFFFFF0]  }
0x2e: {  	s29 =	sshll.u32 s25, $0xA  }
0x2f: {  	[tilespmem:s30+$0xFFFFFFD0] =	vst v5;
	v3 =	vmul.f32 $8.000000000e+00, v3;
	s1 =	sadd.s32 s3, s29  }
0x30: {  	[tilespmem:s30+$0xFFFFFFE0] =	vst v6;
	v1 =	vmul.f32 $8.000000000e+00, v1;
	s31 =	sand.u32 $0xC00, s1  }
0x31: {  	[tilespmem:s30+$0x0] =	vst v3;
	v2 =	vmul.f32 $8.000000000e+00, v2;
	s1 =	sshrl.u32 s1, $0x6;
	s31 =	smul.u32 $0x3200, s31  }
0x32: {  	[tilespmem:s30+$0x10] =	vst v1;
	v0 =	vmul.f32 $8.000000000e+00, v0;
	s1 =	sand.u32 $0x1FFFFC0, s1  }
0x33: {  	v1 =	vmul.f32 $8.000000000e+00, v4;
	[tilespmem:s30+$0x20] =	vst v2;
	s1 =	sadd.s32 s1, s31  }
0x34: {  	[tilespmem:s30+$0x30] =	vst v0;
	s1 =	sshrl.u32 s1, $0x3  }
0x35: {  	[tilespmem:s30+$0xFFFFFFF0] =	vst v1;
	s1 =	sadd.s32 s2, s1  }
0x36: {  	[hbm4b:s1+s14] =	stream.strided.scatter [tilespmem:s10], [sflag:$0x5], $0x4000, s15, s14, $0x38;
	[tilespmem:$0x16400] =	vst v63  }
0x37: {  	s1 =	simm.s32 @!p0 $0x8  }
0x38: {  	s28 =	sor.u32 $0x3, s28;
	_ =	swait.ge @!p0 [sflag:s1], $0x4000  }
0x39: {  	s28 =	sshll.u32 s28, $0x8;
	[sflag:s1] =	ssyncset.done @!p0 $0x0  }
0x3a: {  	[sflag:s1] =	ssyncadd.s32 @!p0 $0xFFFFC000;
	s1 =	sand.u32 $0x3FFFFF00, s28  }
0x3b: {  	[tilespmem:s16], [sflag:$0x4] =	stream.indirect.gather [hbm4b:s5+s9], $0x40, s1, s9, $0xb8;
	[tilespmem:$0x16400] =	vst v63  }
0x3c: {  	_ =	swait.ge [sflag:s17], $0x4000  }
0x3d: {  	[sflag:s17] =	ssyncset.done $0x0  }
0x3e: {  	s30 =	simm.s32 $0xA440;
	[sflag:s17] =	ssyncadd.s32 $0xFFFFC000  }
0x3f: {  	v0 =	vld [tilespmem:s30+$0xFFFFFFC0];
	_ =	sdelay $0x1  }
0x40: {  	v4 =	vld [tilespmem:s30+$0xFFFFFFD0]  }
0x41: {  	v6 =	vld [tilespmem:s30+$0xFFFFFFE0]  }
0x42: {  	v3 =	vld [tilespmem:s30+$0x0]  }
0x43: {  	v1 =	vld [tilespmem:s30+$0x10];
	v5 =	vmul.f32 $8.000000000e+00, v0  }
0x44: {  	v2 =	vld [tilespmem:s30+$0x20]  }
0x45: {  	v0 =	vld [tilespmem:s30+$0x30];
	[tilespmem:s30+$0xFFFFFFC0] =	vst v5;
	v5 =	vmul.f32 $8.000000000e+00, v4  }
0x46: {  	s31 =	simm.s32 $0x0;
	s1 =	simm.s32 $0xA4C0;
	v6 =	vmul.f32 $8.000000000e+00, v6;
	v4 =	vld [tilespmem:s30+$0xFFFFFFF0]  }
.LBB2_5:
0x47: {  	v7 =	vld [tilespmem:s1+$0xFFFFFFC0];
	[tilespmem:s30+$0xFFFFFFD0] =	vst v5;
	v3 =	vmul.f32 $8.000000000e+00, v3  }
0x48: {  	s31 =	sadd.s32 $0x2, s31;
	v5 =	vld [tilespmem:s1+$0xFFFFFFD0];
	[tilespmem:s30+$0xFFFFFFE0] =	vst v6;
	v1 =	vmul.f32 $8.000000000e+00, v1  }
0x49: {  	p0 =	slt.u32 s31, $0xFE;
	v6 =	vld [tilespmem:s1+$0xFFFFFFE0];
	[tilespmem:s30+$0x0] =	vst v3;
	v2 =	vmul.f32 $8.000000000e+00, v2  }
.Ltmp1:
0x4a: {  	v3 =	vld [tilespmem:s1+$0x0];
	[tilespmem:s30+$0x10] =	vst v1;
	v0 =	vmul.f32 $8.000000000e+00, v0;
	(pc) =	sbr.rel @p0 .LBB2_5-.Ltmp1, $4  }
0x4b: {  	v1 =	vld [tilespmem:s1+$0x10];
	v4 =	vmul.f32 $8.000000000e+00, v4;
	[tilespmem:s30+$0x20] =	vst v2  }
0x4c: {  	v7 =	vmul.f32 $8.000000000e+00, v7;
	v2 =	vld [tilespmem:s1+$0x20];
	[tilespmem:s30+$0x30] =	vst v0  }
0x4d: {  	v5 =	vmul.f32 $8.000000000e+00, v5;
	v0 =	vld [tilespmem:s1+$0x30];
	[tilespmem:s30+$0xFFFFFFF0] =	vst v4;
	s30 =	smov.u32 s1  }
0x4e: {  	s1 =	sadd.s32 $0x80, s1;
	[tilespmem:s30+$0xFFFFFFC0] =	vst v7;
	v6 =	vmul.f32 $8.000000000e+00, v6;
	v4 =	vld [tilespmem:s30+$0xFFFFFFF0]  }
0x4f: {  	s1 =	sadd.s32 s29, s3  }
0x50: {  	[tilespmem:s30+$0xFFFFFFD0] =	vst v5;
	v3 =	vmul.f32 $8.000000000e+00, v3;
	s1 =	sadd.s32 $0x100, s1  }
0x51: {  	[tilespmem:s30+$0xFFFFFFE0] =	vst v6;
	v1 =	vmul.f32 $8.000000000e+00, v1;
	s29 =	sand.u32 $0xD00, s1  }
0x52: {  	[tilespmem:s30+$0x0] =	vst v3;
	v2 =	vmul.f32 $8.000000000e+00, v2;
	s1 =	sshrl.u32 s1, $0x6;
	s29 =	smul.u32 $0x3200, s29  }
0x53: {  	[tilespmem:s30+$0x10] =	vst v1;
	v0 =	vmul.f32 $8.000000000e+00, v0;
	s1 =	sand.u32 $0x1FFFFC0, s1  }
0x54: {  	v1 =	vmul.f32 $8.000000000e+00, v4;
	[tilespmem:s30+$0x20] =	vst v2;
	s1 =	sadd.s32 s1, s29  }
0x55: {  	[tilespmem:s30+$0x30] =	vst v0;
	s1 =	sshrl.u32 s1, $0x3  }
0x56: {  	p0 =	seq.s32 s25, $0x18;
	[tilespmem:s30+$0xFFFFFFF0] =	vst v1;
	s1 =	sadd.s32 s2, s1  }
0x57: {  	[hbm4b:s1+s14] =	stream.strided.scatter [tilespmem:s11], [sflag:$0x6], $0x4000, s15, s14, $0x38;
	[tilespmem:$0x16400] =	vst v63  }
0x58: {  	s1 =	simm.s32 @!p0 $0x5  }
0x59: {  	s29 =	sshll.u32 @!p0 s25, $0xA;
	_ =	swait.ge @!p0 [sflag:s1], $0x4000  }
0x5a: {  	s31 =	simm.s32 @!p0 $0x6400;
	s29 =	sand.u32 @!p0 $0x3FFFFC00, s29;
	[sflag:s1] =	ssyncset.done @!p0 $0x0  }
0x5b: {  	s30 =	simm.s32 @!p0 $0x100;
	[sflag:s1] =	ssyncadd.s32 @!p0 $0xFFFFC000;
	s1 =	sadd.s32 @!p0 $0x400, s29  }
0x5c: {  	[tilespmem:s31], [sflag:$0x1] =	stream.indirect.gather @!p0 [hbm4b:s5+s30], $0x40, s1, s30, $0xb8;
	[tilespmem:$0x16400] =	vst v63  }
0x5d: {  	_ =	swait.ge [sflag:s18], $0x4000  }
0x5e: {  	[sflag:s18] =	ssyncset.done $0x0  }
0x5f: {  	s30 =	simm.s32 $0xE440;
	[sflag:s18] =	ssyncadd.s32 $0xFFFFC000  }
0x60: {  	v0 =	vld [tilespmem:s30+$0xFFFFFFC0];
	_ =	sdelay $0x1  }
0x61: {  	v4 =	vld [tilespmem:s30+$0xFFFFFFD0]  }
0x62: {  	v6 =	vld [tilespmem:s30+$0xFFFFFFE0]  }
0x63: {  	v3 =	vld [tilespmem:s30+$0x0]  }
0x64: {  	v1 =	vld [tilespmem:s30+$0x10];
	v5 =	vmul.f32 $8.000000000e+00, v0  }
0x65: {  	v2 =	vld [tilespmem:s30+$0x20]  }
0x66: {  	v0 =	vld [tilespmem:s30+$0x30];
	[tilespmem:s30+$0xFFFFFFC0] =	vst v5;
	v5 =	vmul.f32 $8.000000000e+00, v4  }
0x67: {  	s31 =	simm.s32 $0x0;
	s1 =	simm.s32 $0xE4C0;
	v6 =	vmul.f32 $8.000000000e+00, v6;
	v4 =	vld [tilespmem:s30+$0xFFFFFFF0]  }
.LBB2_7:
0x68: {  	v7 =	vld [tilespmem:s1+$0xFFFFFFC0];
	[tilespmem:s30+$0xFFFFFFD0] =	vst v5;
	v3 =	vmul.f32 $8.000000000e+00, v3  }
0x69: {  	s31 =	sadd.s32 $0x2, s31;
	v5 =	vld [tilespmem:s1+$0xFFFFFFD0];
	[tilespmem:s30+$0xFFFFFFE0] =	vst v6;
	v1 =	vmul.f32 $8.000000000e+00, v1  }
0x6a: {  	p1 =	slt.u32 s31, $0xFE;
	v6 =	vld [tilespmem:s1+$0xFFFFFFE0];
	[tilespmem:s30+$0x0] =	vst v3;
	v2 =	vmul.f32 $8.000000000e+00, v2  }
.Ltmp2:
0x6b: {  	v3 =	vld [tilespmem:s1+$0x0];
	[tilespmem:s30+$0x10] =	vst v1;
	v0 =	vmul.f32 $8.000000000e+00, v0;
	(pc) =	sbr.rel @p1 .LBB2_7-.Ltmp2, $4  }
0x6c: {  	v1 =	vld [tilespmem:s1+$0x10];
	v4 =	vmul.f32 $8.000000000e+00, v4;
	[tilespmem:s30+$0x20] =	vst v2  }
0x6d: {  	v7 =	vmul.f32 $8.000000000e+00, v7;
	v2 =	vld [tilespmem:s1+$0x20];
	[tilespmem:s30+$0x30] =	vst v0  }
0x6e: {  	v5 =	vmul.f32 $8.000000000e+00, v5;
	v0 =	vld [tilespmem:s1+$0x30];
	[tilespmem:s30+$0xFFFFFFF0] =	vst v4;
	s30 =	smov.u32 s1  }
0x6f: {  	s1 =	sadd.s32 $0x80, s1;
	[tilespmem:s30+$0xFFFFFFC0] =	vst v7;
	v6 =	vmul.f32 $8.000000000e+00, v6;
	v4 =	vld [tilespmem:s30+$0xFFFFFFF0]  }
0x70: {  	[tilespmem:s30+$0xFFFFFFD0] =	vst v5;
	v3 =	vmul.f32 $8.000000000e+00, v3;
	s1 =	sadd.s32 s3, s26  }
0x71: {  	[tilespmem:s30+$0xFFFFFFE0] =	vst v6;
	v1 =	vmul.f32 $8.000000000e+00, v1;
	s26 =	sand.u32 $0xE00, s1  }
0x72: {  	s1 =	sshrl.u32 s1, $0x6;
	[tilespmem:s30+$0x0] =	vst v3;
	v2 =	vmul.f32 $8.000000000e+00, v2;
	s26 =	smul.u32 $0x3200, s26  }
0x73: {  	s1 =	sand.u32 $0x1FFFFC0, s1;
	[tilespmem:s30+$0x10] =	vst v1;
	v0 =	vmul.f32 $8.000000000e+00, v0  }
0x74: {  	s1 =	sadd.s32 s1, s26;
	v1 =	vmul.f32 $8.000000000e+00, v4;
	[tilespmem:s30+$0x20] =	vst v2  }
0x75: {  	[tilespmem:s30+$0x30] =	vst v0;
	s1 =	sshrl.u32 s1, $0x3  }
0x76: {  	[tilespmem:s30+$0xFFFFFFF0] =	vst v1;
	s1 =	sadd.s32 s2, s1  }
0x77: {  	[hbm4b:s1+s14] =	stream.strided.scatter [tilespmem:s12], [sflag:$0x7], $0x4000, s15, s14, $0x38;
	[tilespmem:$0x16400] =	vst v63  }
0x78: {  	s1 =	simm.s32 @!p0 $0x6  }
0x79: {  	_ =	swait.ge @!p0 [sflag:s1], $0x4000  }
0x7a: {  	s26 =	simm.s32 @!p0 $0x100;
	[sflag:s1] =	ssyncset.done @!p0 $0x0  }
0x7b: {  	[sflag:s1] =	ssyncadd.s32 @!p0 $0xFFFFC000;
	s1 =	sadd.s32 @!p0 $0x500, s29;
	s29 =	simm.s32 @!p0 $0xA400  }
0x7c: {  	[tilespmem:s29], [sflag:$0x2] =	stream.indirect.gather @!p0 [hbm4b:s5+s26], $0x40, s1, s26, $0xb8;
	[tilespmem:$0x16400] =	vst v63  }
0x7d: {  	_ =	swait.ge [sflag:s19], $0x4000  }
0x7e: {  	[sflag:s19] =	ssyncset.done $0x0  }
0x7f: {  	s26 =	simm.s32 $0x12440;
	[sflag:s19] =	ssyncadd.s32 $0xFFFFC000  }
0x80: {  	v0 =	vld [tilespmem:s26+$0xFFFFFFC0];
	_ =	sdelay $0x1  }
0x81: {  	v4 =	vld [tilespmem:s26+$0xFFFFFFD0]  }
0x82: {  	v6 =	vld [tilespmem:s26+$0xFFFFFFE0]  }
0x83: {  	v3 =	vld [tilespmem:s26+$0x0]  }
0x84: {  	v1 =	vld [tilespmem:s26+$0x10];
	v5 =	vmul.f32 $8.000000000e+00, v0  }
0x85: {  	v2 =	vld [tilespmem:s26+$0x20]  }
0x86: {  	v0 =	vld [tilespmem:s26+$0x30];
	[tilespmem:s26+$0xFFFFFFC0] =	vst v5;
	v5 =	vmul.f32 $8.000000000e+00, v4  }
0x87: {  	s29 =	simm.s32 $0x0;
	s1 =	simm.s32 $0x124C0;
	v6 =	vmul.f32 $8.000000000e+00, v6;
	v4 =	vld [tilespmem:s26+$0xFFFFFFF0]  }
.LBB2_9:
0x88: {  	v7 =	vld [tilespmem:s1+$0xFFFFFFC0];
	[tilespmem:s26+$0xFFFFFFD0] =	vst v5;
	v3 =	vmul.f32 $8.000000000e+00, v3  }
0x89: {  	s29 =	sadd.s32 $0x2, s29;
	v5 =	vld [tilespmem:s1+$0xFFFFFFD0];
	[tilespmem:s26+$0xFFFFFFE0] =	vst v6;
	v1 =	vmul.f32 $8.000000000e+00, v1  }
0x8a: {  	p0 =	slt.u32 s29, $0xFE;
	v6 =	vld [tilespmem:s1+$0xFFFFFFE0];
	[tilespmem:s26+$0x0] =	vst v3;
	v2 =	vmul.f32 $8.000000000e+00, v2  }
.Ltmp3:
0x8b: {  	v3 =	vld [tilespmem:s1+$0x0];
	[tilespmem:s26+$0x10] =	vst v1;
	v0 =	vmul.f32 $8.000000000e+00, v0;
	(pc) =	sbr.rel @p0 .LBB2_9-.Ltmp3, $4  }
0x8c: {  	v1 =	vld [tilespmem:s1+$0x10];
	v4 =	vmul.f32 $8.000000000e+00, v4;
	[tilespmem:s26+$0x20] =	vst v2  }
0x8d: {  	v7 =	vmul.f32 $8.000000000e+00, v7;
	v2 =	vld [tilespmem:s1+$0x20];
	[tilespmem:s26+$0x30] =	vst v0  }
0x8e: {  	v5 =	vmul.f32 $8.000000000e+00, v5;
	v0 =	vld [tilespmem:s1+$0x30];
	[tilespmem:s26+$0xFFFFFFF0] =	vst v4;
	s26 =	smov.u32 s1  }
0x8f: {  	s1 =	sadd.s32 $0x80, s1;
	[tilespmem:s26+$0xFFFFFFC0] =	vst v7;
	v6 =	vmul.f32 $8.000000000e+00, v6;
	v4 =	vld [tilespmem:s26+$0xFFFFFFF0]  }
0x90: {  	[tilespmem:s26+$0xFFFFFFD0] =	vst v5;
	v3 =	vmul.f32 $8.000000000e+00, v3;
	s1 =	sadd.s32 s3, s28  }
0x91: {  	s25 =	sadd.s32 $0x1, s25;
	[tilespmem:s26+$0xFFFFFFE0] =	vst v6;
	v1 =	vmul.f32 $8.000000000e+00, v1;
	s28 =	sand.u32 $0xF00, s1  }
0x92: {  	s1 =	sshrl.u32 s1, $0x6;
	p0 =	sne.s32 s25, $0x19;
	[tilespmem:s26+$0x0] =	vst v3;
	v2 =	vmul.f32 $8.000000000e+00, v2;
	s28 =	smul.u32 $0x3200, s28  }
.Ltmp4:
0x93: {  	s1 =	sand.u32 $0x1FFFFC0, s1;
	[tilespmem:s26+$0x10] =	vst v1;
	v0 =	vmul.f32 $8.000000000e+00, v0;
	(pc) =	sbr.rel @p0 .LBB2_2-.Ltmp4, $4  }
0x94: {  	s1 =	sadd.s32 s1, s28;
	v63 =	vmul.f32 $8.000000000e+00, v4;
	[tilespmem:s26+$0x20] =	vst v2  }
0x95: {  	[tilespmem:s26+$0x30] =	vst v0;
	s1 =	sshrl.u32 s1, $0x3  }
0x96: {  	[tilespmem:s26+$0xFFFFFFF0] =	vst v63;
	s1 =	sadd.s32 s2, s1  }
0x97: {  	[hbm4b:s1+s14] =	stream.strided.scatter [tilespmem:s16], [sflag:$0x8], $0x4000, s15, s14, $0x38;
	[tilespmem:$0x16400] =	vst v63  }
0x98: {  	_ =	swait.ge [sflag:s20], $0x4000  }
0x99: {  	[sflag:s20] =	ssyncset.done $0x0  }
0x9a: {  	[sflag:s20] =	ssyncadd.s32 $0xFFFFC000  }
0x9b: {  	_ =	swait.ge [sflag:s21], $0x4000  }
0x9c: {  	[sflag:s21] =	ssyncset.done $0x0  }
0x9d: {  	s24 =	sadd.s32 $0x1, s24;
	[sflag:s21] =	ssyncadd.s32 $0xFFFFC000  }
0x9e: {  	p0 =	sne.s32 s24, s7;
	_ =	swait.ge [sflag:s22], $0x4000  }
.Ltmp5:
0x9f: {  	[sflag:s22] =	ssyncset.done $0x0;
	(pc) =	sbr.rel @p0 .LBB2_1-.Ltmp5, $4  }
0xa0: {  	[sflag:s22] =	ssyncadd.s32 $0xFFFFC000  }
0xa1: {  	_ =	swait.ge [sflag:s23], $0x4000  }
0xa2: {  	[sflag:s23] =	ssyncset.done $0x0  }
0xa3: {  	[sflag:s23] =	ssyncadd.s32 $0xFFFFC000  }
0xa4: {  	_ =	sfence.sel $0x180000  }
0xa5: {  	[bflag:$0x0] =	sbarrier.arrive $0xFFFF  }
0xa6: {  	_ =	strace $0x90000047  }
0xa7: {  	[bflag:$0x2] =	sbarrier.arrive $0xFFFF  }
0xa8: {  	p0 =	sne.s32 s0, $0x0;
	s0 =	rddreg [dreg:$0x2]  }
0xa9: {  	s0 =	sadd.s32 @!p0 $0x100000, s0  }
0xaa: {  	[sflag:s0] =	ssyncadd.tile.s32 @!p0 $0x1;
	_ =	shalt  }
.Lfunc_end2:
_tile_overlayer_lowered:
.L_overlay_start_2:
0xab: {  	(tag) =	ssettag $0x2  }
0xac: {  	s0 =	rddreg [dreg:$0x0];
	s2 =	stileid.u32  }
0xad: {  	s1 =	rddreg [dreg:$0x1];
	p0 =	sne.s32 s2, $0x0  }
0xae: {  	s3 =	rddreg [dreg:$0x2];
	[bflag:$0x3] =	sbarrier.arrive $0xFFFF;
	s2 =	simm.s32 @!p0 $0x1C0A  }
0xaf: {  	[timem:s3], [sflag:s2] =	dma.local @!p0 [hbm:s0], s1  }
0xb0: {  	s0 =	simm.s32 @!p0 $0xA  }
0xb1: {  	_ =	swait.ge @!p0 [sflag:s0], s1  }
0xb2: {  	s1 =	ssub.s32 @!p0 $0x0, s1;
	[sflag:s0] =	ssyncset.done @!p0 $0x0  }
0xb3: {  	[sflag:s0] =	ssyncadd.s32 @!p0 s1  }
0xb4: {  	[bflag:$0x3] =	sbarrier.arrive $0xFFFF  }
0xb5: {  	_ =	shalt  }

// kernel: sparse-core-data-format-call.cloned.1.call-start
scs
called_computation_lowered:
.L_overlay_start_0:
0x0: {  	s2 =	sld [smem:$0x3FD9]  }
0x1: {  	s3 =	sld [smem:$0x3FFE];
	_ =	sdelay $0x1  }
0x2: {  	s1 =	srdreg.scid  }
0x3: {  	s0 =	sand.u32 $0x1, s1  }
0x4: {  	s18 =	sshll.u32 s0, $0xA;
	s2 =	sadd.s32 s3, s2  }
0x5: {  	s2 =	sadd.s32 s2, s18  }
0x6: {  	[smem:$0x3FC6] =	sst s2  }
0x7: {  	_ = 	snop  }
0x8: {  	s2 =	sld [smem:$0x3FD0];
	(tm) =	ssettm $0x1  }
0x9: {  	s19 =	sld [smem:$0x3FFB];
	_ =	sdelay $0x3  }
0xa: {  	_ =	strace s19  }
0xb: {  	s3 =	sld [smem:$0x3FFC];
	_ =	sdelay $0x3  }
0xc: {  	_ =	strace s3  }
0xd: {  	s3 =	sld [smem:$0x3FFD];
	_ =	sdelay $0x3  }
0xe: {  	_ =	strace s3  }
0xf: {  	_ =	strace $0x8FFFFFFF  }
0x10: {  	s20 =	sld [smem:$0x3FDB];
	_ =	sdelay $0x1  }
0x11: {  	s4 =	simm.s32 $_scs_section_size  }
0x12: {  	s5 =	simm.s32 $_size__tile_overlayer_lowered;
	s6 =	simm.s32 $_tile_overlayer_lowered  }
0x13: {  	s23 =	simm.s32 $0x1BFF;
	s22 =	sshll.u32 s6, $0x1;
	s3 =	sadd.s32 s4, s20  }
0x14: {  	s7 =	simm.s32 $0x0;
	s21 =	sshll.u32 s5, $0x1;
	s5 =	sadd.s32 s22, s3  }
0x15: {  	[timem:s7], [sflag:s23] =	dma.local [hbm:s5], s21  }
0x16: {  	_ =	swait.ge [sflag:s23], s21  }
0x17: {  	s4 =	ssub.s32 $0x0, s21;
	[sflag:s23] =	ssyncset.done $0x0  }
0x18: {  	[sflag:s23] =	ssyncadd.s32 s4;
	_ =	sdelay $0x1  }
0x19: {  	s24 =	simm.s32 $0x1B8B  }
0x1a: {  	_ =	swait.ge [sflag:s24], $0x1  }
0x1b: {  	[sflag:s24] =	ssyncset.done $0x0  }
0x1c: {  	s26 =	simm.s32 $0x1B8E;
	s25 =	sld [smem:$0x3FFE];
	[sflag:s24] =	ssyncadd.s32 $0xFFFFFFFF  }
0x1d: {  	s27 =	simm.s32 $execute0_lowered;
	[smem:$0x3FD2] =	sst s26  }
0x1e: {  	s5 =	sshll.u32 s27, $0x1;
	_ =	strace $0x80000049;
	[dreg:$0x1] =	wrdreg $0xFFFFFFFF  }
0x1f: {  	s28 =	simm.s32 $_size_execute0_lowered;
	s3 =	sadd.s32 s3, s5;
	[dreg:$0x0] =	wrdreg $0x0  }
0x20: {  	s5 =	sshll.u32 s28, $0x1;
	[dreg:$0x2] =	wrdreg s3  }
0x21: {  	[dreg:$0x3] =	wrdreg s5  }
0x22: {  	[dreg:$0x4] =	wrdreg $0xC0  }
0x23: {  	_ =	task [dreg:s7], $0x5FFFF  }
0x24: {  	[dreg:$0x1] =	wrdreg $0xFFFFFFFF  }
0x25: {  	[dreg:$0x0] =	wrdreg $0x60  }
0x26: {  	[dreg:$0x2] =	wrdreg s25  }
0x27: {  	[dreg:$0x3] =	wrdreg s2  }
0x28: {  	[dreg:$0x4] =	wrdreg $0x9  }
0x29: {  	_ =	task.clear_ibuf [dreg:s7], $0x5FFFF;
	_ =	strace $0x90000049  }
0x2a: {  	s29 =	simm.s32 $0x9;
	_ =	strace $0x8000004B  }
0x2b: {  	_ =	swait.ge [sflag:s29], $0x1  }
0x2c: {  	[sflag:s29] =	ssyncadd.s32 $0xFFFFFFFF  }
0x2d: {  	_ =	strace $0x9000004B  }
0x2e: {  	_ =	sfence  }
0x2f: {  	s30 =	sld [smem:$0x0];
	_ =	sdelay $0x2  }
0x30: {  	s31 =	sshll.u32 s1, $0xD;
	s1 =	sshrl.u32 s1, $0x2  }
0x31: {  	s3 =	sand.u32 $0x4000, s31;
	s1 =	sadd.s32 s1, s30  }
0x32: {  	s0 =	sor.u32 s3, s0;
	s1 =	sshll.u32 s1, $0x11  }
0x33: {  	s0 =	sor.u32 s1, s0  }
0x34: {  	s0 =	sadd.s32 $0x8F2B, s0  }
0x35: {  	[sflag:s0] =	ssyncadd.remote.s32 $0x1  }
0x36: {  	_ =	sfence.sel $0xFFFF  }
0x37: {  	[dreg:$0x0] =	wrdreg $0xFFFFFFFF;
	(pc) =	sbr.abs _section_cstart, $3  }
0x38: {  	[dreg:$0x1] =	wrdreg $0xFFFFFFFF  }
0x39: {  	_ =	task.clear_ibuf [dreg:s7], $0x2FFFF;
	_ =	strace $0x9FFFFFFF  }
0x3a: {  	(tm) =	ssettm $0x7FFFFFFF  }
0x3b: {  	_ =	shalt  }
tec
execute0_lowered:
.L_overlay_start_1:
0x0: {  	(tag) =	ssettag $0x1  }
0x1: {  	s0 =	srdreg.scid  }
0x2: {  	s1 =	sshll.u32 s0, $0x4  }
0x3: {  	s0 =	stileid.u32;
	s1 =	sand.u32 $0x10, s1  }
0x4: {  	s1 =	sor.u32 s0, s1  }
0x5: {  	s6 =	rddreg [dreg:$0x0];
	s4 =	simm.s32 $0x1;
	s2 =	sshll.u32 s1, $0x7  }
0x6: {  	s7 =	simm.s32 $0x2;
	s12 =	simm.s32 $0x0;
	s1 =	ssub.s32 $0x1000, s2  }
0x7: {  	s8 =	simm.s32 $0x8000;
	s13 =	simm.s32 $0x0;
	s3 =	sand.u32 $0xF80, s1  }
0x8: {  	s9 =	simm.s32 $0x0;
	s5 =	sshrl.u32 s1, $0xC;
	p0 =	sne.s32 s3, $0x0  }
.Ltmp0:
0x9: {  	s1 =	rddreg [dreg:$0x2];
	s4 =	simm.s32 @!p0 $0x0;
	(pc) =	sbr.rel .LBB1_1-.Ltmp0, $4  }
0xa: {  	s11 =	simm.s32 $0x0;
	s3 =	rddreg [dreg:$0x1];
	s5 =	sadd.s32 s4, s5  }
0xb: {  	_ =	strace $0x8000004A;
	s4 =	simm.s32 $0x1;
	s5 =	smul.u32 $0xC8, s5  }
0xc: {  	s6 =	sadd.s32 $0xA00, s6;
	s10 =	smov.u32 s2;
	[sflag:s4] =	ssyncpa.u1 $0x0  }
0xd: {  	p0 =	por $0x0, $0x0;
	[sflag:s7] =	ssyncpa.u1 $0x0;
	s7 =	sor.u32 $0x1, s5  }
.LBB1_4:
0xe: {  	s16 =	sshll.u32 s13, $0x3;
	s17 =	sand.u32 $0x78, s13  }
0xf: {  	s30 =	sand.u32 $0x7E00, s13;
	s12 =	sshll.u32 s12, $0xF;
	s16 =	sand.u32 $0xC00, s16  }
0x10: {  	[tilespmem:s15+$0x810 ss:$0x81] =	vst.msk $0xffff, v2;
	s31 =	sand.u32 $0x7, s13;
	s16 =	sor.u32 s17, s16;
	s17 =	sadd.s32 s3, s30  }
0x11: {  	[tilespmem:s15+$0x1020 ss:$0x81] =	vst.msk $0xffff, v0;
	s13 =	sshll.u32 s31, $0x12;
	s12 =	sadd.s32 s12, s17;
	s16 =	sshrl.u32 s16, $0x3  }
0x12: {  	[tilespmem:s15+$0x0 ss:$0x81] =	vst.msk $0xffff, v1;
	s13 =	sor.u32 $0x400, s13;
	s12 =	sadd.s32 s16, s12  }
0x13: {  	[hbm4b:s12+s13] =	stream.strided.scatter [tilespmem:s14], [sflag:$0x2], $0x2000, s8, s13, $0x20;
	[tilespmem:$0x8080] =	vst v63  }
.LBB1_5:
0x14: {  	s14 =	sadd.s32 $0x1, s9  }
0x15: {  	s12 =	sadd.s32 $0x1000, s10;
	s16 =	smov.u32 s10;
	p2 =	sgt.s32 s14, $0xC7  }
0x16: {  	s16 =	smov.u32 @p2 s12  }
0x17: {  	s14 =	simm.s32 @p2 $0x0;
	p2 =	sgt.s32 s16, $0xFFF  }
0x18: {  	s16 =	smov.u32 @p2 s2;
	p2 =	sne.s32 s11, s7  }
.Ltmp1:
0x19: {  	p1 =	slt.u32 s11, $0x2;
	(pc) =	sbr.rel @!p2 .LBB1_6-.Ltmp1, $4  }
0x1a: {  	s15 =	simm.s32 @!p1 $0x2  }
0x1b: {  	s13 =	smov.u32 s10;
	p0 =	por !p0, !p0;
	_ =	swait.ge @!p1 [sflag:s15], $0x2000  }
0x1c: {  	s12 =	smov.u32 s9;
	[sflag:s15] =	ssyncset.done @!p1 $0x0;
	s9 =	smov.u32 s14  }
0x1d: {  	s11 =	sadd.s32 $0x1, s11;
	[sflag:s15] =	ssyncadd.s32 @!p1 $0xFFFFE000;
	s10 =	smov.u32 s16  }
.LBB1_1:
0x1e: {  	p1 =	sge.u32 s11, s5  }
0x1f: {  	s14 =	sand.u32 @!p1 $0x1FFFFFF, s9  }
0x20: {  	s15 =	smulhi.u32 @!p1 $0x147AE15, s14;
	_ =	sdelay $0x1  }
0x21: {  	s15 =	smul.u32 @!p1 $0xC8, s15  }
0x22: {  	s16 =	sxor.u32 @!p1 $0xFFFFFFFF, s11;
	s17 =	smul.u32 @!p1 $0xC80, s10  }
0x23: {  	s31 =	sadd.s32 $0xFFFFFFFF, s11;
	s16 =	sshll.u32 @!p1 s16, $0xD;
	s14 =	ssub.s32 @!p1 s14, s15  }
0x24: {  	s15 =	sand.u32 @!p1 $0x2000, s16;
	s16 =	sadd.s32 @!p1 s6, s17;
	s14 =	sshll.u32 @!p1 s14, $0x4  }
0x25: {  	s17 =	simm.s32 @!p1 $0x6400;
	s14 =	sadd.s32 @!p1 s14, s16;
	s16 =	simm.s32 @!p1 $0x40  }
0x26: {  	[tilespmem:s15], [sflag:$0x1] =	stream.strided.gather @!p1 [hbm4b:s14+s16], $0x2000, s17, s16, $0x38;
	[tilespmem:$0x8080] =	vst v63  }
0x27: {  	p1 =	sge.u32 s31, s5  }
.Ltmp2:
0x28: {  	_ = 	snop;
	(pc) =	sbr.rel @p1 .LBB1_5-.Ltmp2, $1  }
0x29: {  	_ =	sdelay $0x3  }
0x2a: {  	s14 =	simm.s32 $0x1  }
0x2b: {  	_ =	swait.ge [sflag:s4], $0x2000;
	s14 =	simm.s32 @!p0 $0x0  }
0x2c: {  	[sflag:s4] =	ssyncset.done $0x0;
	s15 =	sshll.u32 s14, $0xD  }
0x2d: {  	[sflag:s4] =	ssyncadd.s32 $0xFFFFE000;
	s18 =	sor.u32 $0x20, s15  }
0x2e: {  	s14 =	smul.u32 $0x8100, s14;
	v3 =	vld [tilespmem:s18+$0x10]  }
0x2f: {  	s30 =	sand.u32 $0x1, s11;
	v2 =	vld [tilespmem:s18+$0xFFFFFFF0]  }
0x30: {  	s15 =	smul.u32 $0x8100, s30;
	s14 =	sshrl.u32 s14, $0x2;
	v0 =	vld [tilespmem:s18+$0x0]  }
0x31: {  	v1 =	vld [tilespmem:s18+$0xFFFFFFE0];
	s16 =	sor.u32 $0x4000, s14  }
0x32: {  	s31 =	sshrl.u32 s15, $0x2;
	s15 =	sadd.s32 $0x0, s16  }
0x33: {  	s17 =	simm.s32 $0x4;
	s18 =	sadd.s32 $0x40, s18;
	s14 =	sor.u32 $0x4000, s31;
	[tilespmem:s15+$0x1830 ss:$0x81] =	vst.msk $0xffff, v3  }
.LBB1_3:
0x34: {  	v3 =	vld [tilespmem:s18+$0x10];
	p1 =	sne.s32 s17, $0x1FC;
	[tilespmem:s15+$0x810 ss:$0x81] =	vst.msk $0xffff, v2;
	s19 =	smov.u32 s17;
	s17 =	sadd.s32 $0x4, s17  }
.Ltmp3:
0x35: {  	v2 =	vld [tilespmem:s18+$0xFFFFFFF0];
	[tilespmem:s15+$0x1020 ss:$0x81] =	vst.msk $0xffff, v0;
	(pc) =	sbr.rel @p1 .LBB1_3-.Ltmp3, $4  }
0x36: {  	v0 =	vld [tilespmem:s18+$0x0];
	[tilespmem:s15+$0x0 ss:$0x81] =	vst.msk $0xffff, v1  }
0x37: {  	s15 =	sshra.s32 s19, $0x2;
	v1 =	vld [tilespmem:s18+$0xFFFFFFE0]  }
0x38: {  	s15 =	sadd.s32 s15, s16  }
0x39: {  	s18 =	sadd.s32 $0x40, s18;
	[tilespmem:s15+$0x1830 ss:$0x81] =	vst.msk $0xffff, v3  }
.Ltmp4:
0x3a: {  	_ = 	snop;
	(pc) =	sbr.rel .LBB1_4-.Ltmp4, $1  }
0x3b: {  	_ =	sdelay $0x3  }
.LBB1_6:
0x3c: {  	_ =	sfence.sel $0x180000  }
0x3d: {  	s2 =	simm.s32 $0x1;
	[bflag:$0x0] =	sbarrier.arrive $0xFFFF  }
0x3e: {  	s31 =	simm.s32 $0x2;
	[sflag:s2] =	ssyncpa.u1 $0x1  }
0x3f: {  	[sflag:s31] =	ssyncpa.u1 $0x1  }
0x40: {  	p0 =	sne.s32 s0, $0x0;
	_ =	strace $0x9000004A  }
0x41: {  	s0 =	sadd.s32 @!p0 $0x100000, s1;
	[bflag:$0x2] =	sbarrier.arrive $0xFFFF  }
0x42: {  	[sflag:s0] =	ssyncadd.tile.s32 @!p0 $0x1;
	_ =	shalt  }
.Lfunc_end1:
_tile_overlayer_lowered:
.L_overlay_start_2:
0x43: {  	(tag) =	ssettag $0x2  }
0x44: {  	s0 =	rddreg [dreg:$0x0];
	s2 =	stileid.u32  }
0x45: {  	s1 =	rddreg [dreg:$0x1];
	p0 =	sne.s32 s2, $0x0  }
0x46: {  	s3 =	rddreg [dreg:$0x2];
	[bflag:$0x3] =	sbarrier.arrive $0xFFFF;
	s2 =	simm.s32 @!p0 $0x1C01  }
0x47: {  	[timem:s3], [sflag:s2] =	dma.local @!p0 [hbm:s0], s1  }
0x48: {  	s0 =	simm.s32 @!p0 $0x1  }
0x49: {  	_ =	swait.ge @!p0 [sflag:s0], s1  }
0x4a: {  	s1 =	ssub.s32 @!p0 $0x0, s1;
	[sflag:s0] =	ssyncset.done @!p0 $0x0  }
0x4b: {  	[sflag:s0] =	ssyncadd.s32 @!p0 s1  }
0x4c: {  	[bflag:$0x3] =	sbarrier.arrive $0xFFFF  }
0x4d: {  	_ =	shalt  }

</sc_bundles>
